<compile_context>
chip_gen: v7x
topology: tpu7x:2x2x1
jax: 0.10.2.dev20260603
libtpu: 0.0.44.dev20260713+nightly
codegen_flags: <defaults>
</compile_context>

<pallas_src>
import functools

import jax
import jax.numpy as jnp
from jax import lax
from jax.experimental import pallas as pl
from jax.experimental.pallas import tpu as pltpu
from jax.experimental.pallas import tpu_sc as plsc

_N = 1024
_M = 512
_D = 256

_NC = 2
_NS = 16
_L = 16
_NW = _NC * _NS
_RPW = _N // _NW


def _tc_topk_kernel(q_ref, k_ref, qn_ref, idx1_ref, idx2_ref):
    k = k_ref[...]

    ones = jnp.ones((1, _D), jnp.float32)
    ksq = jax.lax.dot_general(
        ones, k * k, (((1,), (1,)), ((), ())),
        preferred_element_type=jnp.float32,
        precision=jax.lax.Precision.HIGHEST,
    )

    q = q_ref[...]

    norm = jnp.sqrt(jnp.sum(q * q, axis=1, keepdims=True))
    qn = q / jnp.maximum(norm, 1e-12)
    qn_ref[...] = qn

    qk = jax.lax.dot_general(
        qn, k, (((1,), (1,)), ((), ())), preferred_element_type=jnp.float32,
        precision=jax.lax.Precision.HIGHEST,
    )
    dist = ksq - 2.0 * qk

    col = jax.lax.broadcasted_iota(jnp.int32, (_N, _M), 1)
    dmin1 = jnp.min(dist, axis=1, keepdims=True)
    idx1 = jnp.min(jnp.where(dist <= dmin1, col, _M), axis=1, keepdims=True)
    dist2 = jnp.where(col == idx1, jnp.inf, dist)
    dmin2 = jnp.min(dist2, axis=1, keepdims=True)
    idx2 = jnp.min(jnp.where(dist2 <= dmin2, col, _M), axis=1, keepdims=True)
    idx1_ref[...] = idx1
    idx2_ref[...] = idx2


def _lane_allsum(v, lanes):
    dnums = lax.GatherDimensionNumbers(
        offset_dims=(), collapsed_slice_dims=(0,), start_index_map=(0,))
    for s in (8, 4, 2, 1):
        v = v + lax.gather(
            v, (lanes ^ s)[:, None], dnums, slice_sizes=(1,),
            mode=lax.GatherScatterMode.PROMISE_IN_BOUNDS)
    return v


def _sc_rescore_kernel(keys_hbm, qn_hbm, idx1_hbm, idx2_hbm, out_hbm,
                       idx1_v, idx2_v, qn_v, g1_v, g2_v, out_v, sem):
    sid = lax.axis_index("s")
    wid = sid * _NC + lax.axis_index("c")
    base = wid * _RPW

    pltpu.sync_copy(idx1_hbm.at[pl.ds(base, _RPW)], idx1_v)
    pltpu.sync_copy(idx2_hbm.at[pl.ds(base, _RPW)], idx2_v)
    pltpu.sync_copy(qn_hbm.at[pl.ds(base, _RPW)], qn_v)

    c1 = pltpu.async_copy(keys_hbm.at[idx1_v], g1_v, sem)
    c2 = pltpu.async_copy(keys_hbm.at[idx2_v], g2_v, sem)
    c1.wait()
    c2.wait()

    lanes = lax.broadcasted_iota(jnp.int32, (_L,), 0)

    for g in range(_RPW // _L):
        def row_body(r, carry, g=g):
            d1v, d2v, l1v, l2v = carry
            rr = g * _L + r
            d1 = jnp.zeros((_L,), jnp.float32)
            d2 = jnp.zeros((_L,), jnp.float32)
            l1 = jnp.zeros((_L,), jnp.float32)
            l2 = jnp.zeros((_L,), jnp.float32)
            for j in range(_D // _L):
                s, o = divmod(j * _L, 128)
                q = qn_v[rr, pl.ds(j * _L, _L)]
                a = q - g1_v[rr, s, pl.ds(o, _L)]
                b = q - g2_v[rr, s, pl.ds(o, _L)]
                a2 = a * a
                b2 = b * b
                d1 = d1 + a2
                d2 = d2 + b2
                l1 = l1 + a2 * a2
                l2 = l2 + b2 * b2
            hit = lanes == r
            d1v = jnp.where(hit, _lane_allsum(d1, lanes), d1v)
            d2v = jnp.where(hit, _lane_allsum(d2, lanes), d2v)
            l1v = jnp.where(hit, _lane_allsum(l1, lanes), l1v)
            l2v = jnp.where(hit, _lane_allsum(l2, lanes), l2v)
            return (d1v, d2v, l1v, l2v)

        z = jnp.zeros((_L,), jnp.float32)
        d1v, d2v, l1v, l2v = lax.fori_loop(0, _L, row_body, (z, z, z, z))

        iv1 = idx1_v[pl.ds(g * _L, _L)]
        iv2 = idx2_v[pl.ds(g * _L, _L)]
        take2 = (d2v < d1v) | ((d2v == d1v) & (iv2 < iv1))
        out_v[pl.ds(g * _L, _L)] = jnp.where(take2, l2v, l1v)

    pltpu.sync_copy(out_v, out_hbm.at[pl.ds(base, _RPW)])


@functools.partial(
    pl.kernel,
    out_type=jax.ShapeDtypeStruct((_N,), jnp.float32),
    mesh=plsc.VectorSubcoreMesh(core_axis_name="c", subcore_axis_name="s"),
    scratch_types=[
        pltpu.VMEM((_RPW,), jnp.int32),
        pltpu.VMEM((_RPW,), jnp.int32),
        pltpu.VMEM((_RPW, _D), jnp.float32),
        pltpu.VMEM((_RPW, _D // 128, 128), jnp.float32),
        pltpu.VMEM((_RPW, _D // 128, 128), jnp.float32),
        pltpu.VMEM((_RPW,), jnp.float32),
        pltpu.SemaphoreType.DMA,
    ],
)
def _sc_rescore(keys_hbm, qn_hbm, idx1_hbm, idx2_hbm, out_hbm,
                idx1_v, idx2_v, qn_v, g1_v, g2_v, out_v, sem):
    _sc_rescore_kernel(keys_hbm, qn_hbm, idx1_hbm, idx2_hbm, out_hbm,
                       idx1_v, idx2_v, qn_v, g1_v, g2_v, out_v, sem)


def kernel(query, keys, train):
    q = query[0]
    b, c, h, w = q.shape
    qr = jnp.transpose(q, (0, 2, 3, 1)).reshape(b * h * w, c)
    qn, idx1, idx2 = pl.pallas_call(
        _tc_topk_kernel,
        out_shape=(
            jax.ShapeDtypeStruct((_N, _D), jnp.float32),
            jax.ShapeDtypeStruct((_N, 1), jnp.int32),
            jax.ShapeDtypeStruct((_N, 1), jnp.int32),
        ),
    )(qr, keys[0])
    loss = _sc_rescore(keys[0].reshape(_M, _D // 128, 128), qn,
                       idx1.reshape(_N), idx2.reshape(_N))
    return loss.reshape(b, h, w, 1)

# --- scband reference (transcript-rebuilt; emitter-appended) ---
"""Pipeline reference for scband-memory-88648124991303 (READ-ONLY COPY).

The authoritative reference and input builder live on the scoring server;
editing this copy changes nothing except your own understanding.
"""

import jax, jax.numpy as jnp
import numpy as np


def _eval_hotmap(q, keys0):
    # q: [B, C, H, W]  (torch F.normalize along dim=1)
    norm = jnp.linalg.norm(q, axis=1, keepdims=True)
    q = q / jnp.maximum(norm, 1e-12)
    q = jnp.transpose(q, (0, 2, 3, 1))  # [B, H, W, C]
    b, h, w, d = q.shape
    qr = q.reshape(b * h * w, d)
    # pairwise squared distance, mean over feature dim: [N, M]
    dis = jnp.mean((qr[:, None, :] - keys0[None, :, :]) ** 2, axis=2)
    # torch.topk(dis, 1, dim=1, largest=False) -> index of nearest key
    _, idx = jax.lax.top_k(-dis, 1)
    gathered = keys0[idx[:, 0], :]
    gathered = jax.lax.stop_gradient(gathered)  # matches .detach() in torch
    loss = jnp.sum((qr - gathered) ** 4, axis=1)
    return loss.reshape(b, h, w, 1)


def setup_inputs(seed: int = 0) -> dict:
    key = jax.random.key(seed)
    k1, k2 = jax.random.split(key, 2)
    query = jax.random.normal(k1, (1, 4, 256, 16, 16), dtype=jnp.float32)
    keys = jax.random.normal(k2, (1, 512, 256), dtype=jnp.float32)
    return {"query": query, "keys": keys, "train": 0}


def reference(query, keys, train):
    # eval path of Memory.forward (train falsy): per-level anomaly hotmaps,
    # returns hotmaps[0]
    hotmaps = []
    for i in range(query.shape[0]):
        hotmaps.append(_eval_hotmap(query[i], keys[0]))
    return hotmaps[0]

if __name__ == "__main__":
    import jax
    _d = setup_inputs()
    print(jax.jit(kernel)(*tuple(_d.values())))

</pallas_src>

<mosaic_0001>
#map = affine_map<(d0, d1) -> (0, 0, 0)>
#map1 = affine_map<(d0, d1) -> (0, 0)>
#map2 = affine_map<(d0, d1) -> (0)>
module attributes {stable_mosaic.version = 14 : i64} {
  func.func @_sc_rescore(%arg0: i32, %arg1: i32, %arg2: memref<512x2x128xf32, #tpu.memory_space<hbm>>, %arg3: memref<1024x256xf32, #tpu.memory_space<hbm>>, %arg4: memref<1024xi32, #tpu.memory_space<hbm>>, %arg5: memref<1024xi32, #tpu.memory_space<hbm>>, %arg6: memref<1024xf32, #tpu.memory_space<hbm>>, %arg7: memref<32xi32, #tpu.memory_space<vmem>>, %arg8: memref<32xi32, #tpu.memory_space<vmem>>, %arg9: memref<32x256xf32, #tpu.memory_space<vmem>>, %arg10: memref<32x2x128xf32, #tpu.memory_space<vmem>>, %arg11: memref<32x2x128xf32, #tpu.memory_space<vmem>>, %arg12: memref<32xf32, #tpu.memory_space<vmem>>, %arg13: memref<!tpu.dma_semaphore, #tpu.memory_space<semaphore_mem>>) attributes {dimension_semantics = [#tpu.dimension_semantics<core_parallel>, #tpu.dimension_semantics<subcore_parallel>], iteration_bounds = array<i64: 2, 16>, scalar_prefetch = 0 : i64, scratch_operands = 7 : i64, tpu.core_type = #tpu.core_type<sc_vector_subcore>, window_params = [{transform_indices = #map}, {transform_indices = #map1}, {transform_indices = #map2}, {transform_indices = #map2}, {transform_indices = #map2}]} {
    %mul3A = arith.constant 2 : i32
    %mul3A_0 = arith.muli %arg1, %mul3A : i32
    %add3A = arith.addi %mul3A_0, %arg0 : i32
    %mul3A_1 = arith.constant 32 : i32
    %mul3A_2 = arith.muli %add3A, %mul3A_1 : i32
    "tpu.region"() ({
      %run_scoped3A = tpu.sem_alloc : memref<!tpu.dma_semaphore, #tpu.memory_space<semaphore_mem>>
      %dma_start3A_56 = tpu.memref_slice %arg4[%mul3A_2] : memref<1024xi32, #tpu.memory_space<hbm>> -> memref<32xi32, #tpu.memory_space<hbm>>
      %dma_start3A_57 = tpu.memref_slice %arg4[%mul3A_2] : memref<1024xi32, #tpu.memory_space<hbm>> -> memref<32xi32, #tpu.memory_space<hbm>>
      tpu.enqueue_dma source(%dma_start3A_57 : memref<32xi32, #tpu.memory_space<hbm>>) target(%arg7 : memref<32xi32, #tpu.memory_space<vmem>>) target_semaphore(%run_scoped3A : memref<!tpu.dma_semaphore, #tpu.memory_space<semaphore_mem>>)
      %dma_wait3A_58 = tpu.memref_slice %arg4[%mul3A_2] : memref<1024xi32, #tpu.memory_space<hbm>> -> memref<32xi32, #tpu.memory_space<hbm>>
      %dma_wait3A_59 = tpu.memref_slice %arg4[%mul3A_2] : memref<1024xi32, #tpu.memory_space<hbm>> -> memref<32xi32, #tpu.memory_space<hbm>>
      tpu.wait_dma2 semaphore(%run_scoped3A : memref<!tpu.dma_semaphore, #tpu.memory_space<semaphore_mem>>) src(%dma_wait3A_59 : memref<32xi32, #tpu.memory_space<hbm>>) dst(%arg7 : memref<32xi32, #tpu.memory_space<vmem>>)
      tpu.yield
    }) : () -> ()
    "tpu.region"() ({
      %run_scoped3A = tpu.sem_alloc : memref<!tpu.dma_semaphore, #tpu.memory_space<semaphore_mem>>
      %dma_start3A_56 = tpu.memref_slice %arg5[%mul3A_2] : memref<1024xi32, #tpu.memory_space<hbm>> -> memref<32xi32, #tpu.memory_space<hbm>>
      %dma_start3A_57 = tpu.memref_slice %arg5[%mul3A_2] : memref<1024xi32, #tpu.memory_space<hbm>> -> memref<32xi32, #tpu.memory_space<hbm>>
      tpu.enqueue_dma source(%dma_start3A_57 : memref<32xi32, #tpu.memory_space<hbm>>) target(%arg8 : memref<32xi32, #tpu.memory_space<vmem>>) target_semaphore(%run_scoped3A : memref<!tpu.dma_semaphore, #tpu.memory_space<semaphore_mem>>)
      %dma_wait3A_58 = tpu.memref_slice %arg5[%mul3A_2] : memref<1024xi32, #tpu.memory_space<hbm>> -> memref<32xi32, #tpu.memory_space<hbm>>
      %dma_wait3A_59 = tpu.memref_slice %arg5[%mul3A_2] : memref<1024xi32, #tpu.memory_space<hbm>> -> memref<32xi32, #tpu.memory_space<hbm>>
      tpu.wait_dma2 semaphore(%run_scoped3A : memref<!tpu.dma_semaphore, #tpu.memory_space<semaphore_mem>>) src(%dma_wait3A_59 : memref<32xi32, #tpu.memory_space<hbm>>) dst(%arg8 : memref<32xi32, #tpu.memory_space<vmem>>)
      tpu.yield
    }) : () -> ()
    "tpu.region"() ({
      %run_scoped3A = tpu.sem_alloc : memref<!tpu.dma_semaphore, #tpu.memory_space<semaphore_mem>>
      %dma_start3A_56 = arith.constant 0 : i32
      %dma_start3A_57 = tpu.memref_slice %arg3[%mul3A_2, %dma_start3A_56] : memref<1024x256xf32, #tpu.memory_space<hbm>> -> memref<32x256xf32, #tpu.memory_space<hbm>>
      %dma_start3A_58 = arith.constant 0 : i32
      %dma_start3A_59 = tpu.memref_slice %arg3[%mul3A_2, %dma_start3A_58] : memref<1024x256xf32, #tpu.memory_space<hbm>> -> memref<32x256xf32, #tpu.memory_space<hbm>>
      tpu.enqueue_dma source(%dma_start3A_59 : memref<32x256xf32, #tpu.memory_space<hbm>>) target(%arg9 : memref<32x256xf32, #tpu.memory_space<vmem>>) target_semaphore(%run_scoped3A : memref<!tpu.dma_semaphore, #tpu.memory_space<semaphore_mem>>)
      %dma_wait3A_60 = arith.constant 0 : i32
      %dma_wait3A_61 = tpu.memref_slice %arg3[%mul3A_2, %dma_wait3A_60] : memref<1024x256xf32, #tpu.memory_space<hbm>> -> memref<32x256xf32, #tpu.memory_space<hbm>>
      %dma_wait3A_62 = arith.constant 0 : i32
      %dma_wait3A_63 = tpu.memref_slice %arg3[%mul3A_2, %dma_wait3A_62] : memref<1024x256xf32, #tpu.memory_space<hbm>> -> memref<32x256xf32, #tpu.memory_space<hbm>>
      tpu.wait_dma2 semaphore(%run_scoped3A : memref<!tpu.dma_semaphore, #tpu.memory_space<semaphore_mem>>) src(%dma_wait3A_63 : memref<32x256xf32, #tpu.memory_space<hbm>>) dst(%arg9 : memref<32x256xf32, #tpu.memory_space<vmem>>)
      tpu.yield
    }) : () -> ()
    %dma_start3A = arith.constant 0 : i32
    %dma_start3A_3 = arith.constant 0 : i32
    %dma_start3A_4 = arith.constant 0 : i32
    %dma_start3A_5 = tpu.memref_slice %arg2[%dma_start3A, %dma_start3A_3, %dma_start3A_4] : memref<512x2x128xf32, #tpu.memory_space<hbm>> -> memref<512x2x128xf32, #tpu.memory_space<hbm>>
    tpu.enqueue_indirect_dma source(%dma_start3A_5 : memref<512x2x128xf32, #tpu.memory_space<hbm>>) target(%arg10 : memref<32x2x128xf32, #tpu.memory_space<vmem>>) offsets(%arg7 : memref<32xi32, #tpu.memory_space<vmem>>) semaphore(%arg13 : memref<!tpu.dma_semaphore, #tpu.memory_space<semaphore_mem>>)
    %dma_start3A_6 = arith.constant 0 : i32
    %dma_start3A_7 = arith.constant 0 : i32
    %dma_start3A_8 = arith.constant 0 : i32
    %dma_start3A_9 = tpu.memref_slice %arg2[%dma_start3A_6, %dma_start3A_7, %dma_start3A_8] : memref<512x2x128xf32, #tpu.memory_space<hbm>> -> memref<512x2x128xf32, #tpu.memory_space<hbm>>
    tpu.enqueue_indirect_dma source(%dma_start3A_9 : memref<512x2x128xf32, #tpu.memory_space<hbm>>) target(%arg11 : memref<32x2x128xf32, #tpu.memory_space<vmem>>) offsets(%arg8 : memref<32xi32, #tpu.memory_space<vmem>>) semaphore(%arg13 : memref<!tpu.dma_semaphore, #tpu.memory_space<semaphore_mem>>)
    %dma_wait3A = arith.constant 0 : i32
    %dma_wait3A_10 = arith.constant 0 : i32
    %dma_wait3A_11 = arith.constant 0 : i32
    %dma_wait3A_12 = tpu.memref_slice %arg2[%dma_wait3A, %dma_wait3A_10, %dma_wait3A_11] : memref<512x2x128xf32, #tpu.memory_space<hbm>> -> memref<512x2x128xf32, #tpu.memory_space<hbm>>
    tpu.wait_indirect_dma semaphore(%arg13 : memref<!tpu.dma_semaphore, #tpu.memory_space<semaphore_mem>>) src(%dma_wait3A_12 : memref<512x2x128xf32, #tpu.memory_space<hbm>>) dst(%arg10 : memref<32x2x128xf32, #tpu.memory_space<vmem>>)
    %dma_wait3A_13 = arith.constant 0 : i32
    %dma_wait3A_14 = arith.constant 0 : i32
    %dma_wait3A_15 = arith.constant 0 : i32
    %dma_wait3A_16 = tpu.memref_slice %arg2[%dma_wait3A_13, %dma_wait3A_14, %dma_wait3A_15] : memref<512x2x128xf32, #tpu.memory_space<hbm>> -> memref<512x2x128xf32, #tpu.memory_space<hbm>>
    tpu.wait_indirect_dma semaphore(%arg13 : memref<!tpu.dma_semaphore, #tpu.memory_space<semaphore_mem>>) src(%dma_wait3A_16 : memref<512x2x128xf32, #tpu.memory_space<hbm>>) dst(%arg11 : memref<32x2x128xf32, #tpu.memory_space<vmem>>)
    %iota3A = tpu.iota {dimensions = array<i32: 0>} : vector<16xi32>
    %broadcast_in_dim3A = arith.constant 0.000000e+00 : f32
    %broadcast_in_dim3A_17 = vector.broadcast %broadcast_in_dim3A : f32 to vector<16xf32>
    %scan3A = arith.constant 0 : i32
    %scan3A_18 = arith.constant 16 : i32
    %scan3A_19 = arith.addi %scan3A, %scan3A_18 : i32
    %scan3A_20 = arith.constant 1 : i32
    %scan3A_21:4 = scf.for %scan3A_56 = %scan3A to %scan3A_19 step %scan3A_20 iter_args(%scan3A_57 = %broadcast_in_dim3A_17, %scan3A_58 = %broadcast_in_dim3A_17, %scan3A_59 = %broadcast_in_dim3A_17, %scan3A_60 = %broadcast_in_dim3A_17) -> (vector<16xf32>, vector<16xf32>, vector<16xf32>, vector<16xf32>)  : i32 {
      %add3A_61 = arith.constant 0 : i32
      %add3A_62 = arith.addi %add3A_61, %scan3A_56 : i32
      %broadcast_in_dim3A_63 = arith.constant 0.000000e+00 : f32
      %broadcast_in_dim3A_64 = vector.broadcast %broadcast_in_dim3A_63 : f32 to vector<16xf32>
      %broadcast_in_dim3A_65 = arith.constant 0.000000e+00 : f32
      %broadcast_in_dim3A_66 = vector.broadcast %broadcast_in_dim3A_65 : f32 to vector<16xf32>
      %broadcast_in_dim3A_67 = arith.constant 0.000000e+00 : f32
      %broadcast_in_dim3A_68 = vector.broadcast %broadcast_in_dim3A_67 : f32 to vector<16xf32>
      %broadcast_in_dim3A_69 = arith.constant 0.000000e+00 : f32
      %broadcast_in_dim3A_70 = vector.broadcast %broadcast_in_dim3A_69 : f32 to vector<16xf32>
      %get3A_71 = arith.index_cast %add3A_62 : i32 to index
      %get3A_72 = arith.constant 0 : index
      %get3A_73 = tpu.vector_load %arg9[%get3A_71, %get3A_72] {strides = array<i32>} : memref<32x256xf32, #tpu.memory_space<vmem>>, vector<1x16xf32>,
      %get3A_74 = vector.shape_cast %get3A_73 : vector<1x16xf32> to vector<16xf32>
      %get3A_75 = arith.constant 0 : i32
      %get3A_76 = arith.index_cast %add3A_62 : i32 to index
      %get3A_77 = arith.index_cast %get3A_75 : i32 to index
      %get3A_78 = arith.constant 0 : index
      %get3A_79 = tpu.vector_load %arg10[%get3A_76, %get3A_77, %get3A_78] {strides = array<i32>} : memref<32x2x128xf32, #tpu.memory_space<vmem>>, vector<1x1x16xf32>,
      %get3A_80 = vector.shape_cast %get3A_79 : vector<1x1x16xf32> to vector<16xf32>
      %sub3A = arith.subf %get3A_74, %get3A_80 : vector<16xf32>
      %get3A_81 = arith.constant 0 : i32
      %get3A_82 = arith.index_cast %add3A_62 : i32 to index
      %get3A_83 = arith.index_cast %get3A_81 : i32 to index
      %get3A_84 = arith.constant 0 : index
      %get3A_85 = tpu.vector_load %arg11[%get3A_82, %get3A_83, %get3A_84] {strides = array<i32>} : memref<32x2x128xf32, #tpu.memory_space<vmem>>, vector<1x1x16xf32>,
      %get3A_86 = vector.shape_cast %get3A_85 : vector<1x1x16xf32> to vector<16xf32>
      %sub3A_87 = arith.subf %get3A_74, %get3A_86 : vector<16xf32>
      %mul3A_88 = arith.mulf %sub3A, %sub3A : vector<16xf32>
      %mul3A_89 = arith.mulf %sub3A_87, %sub3A_87 : vector<16xf32>
      %add3A_90 = arith.addf %broadcast_in_dim3A_64, %mul3A_88 : vector<16xf32>
      %add3A_91 = arith.addf %broadcast_in_dim3A_66, %mul3A_89 : vector<16xf32>
      %mul3A_92 = arith.mulf %mul3A_88, %mul3A_88 : vector<16xf32>
      %add3A_93 = arith.addf %broadcast_in_dim3A_68, %mul3A_92 : vector<16xf32>
      %mul3A_94 = arith.mulf %mul3A_89, %mul3A_89 : vector<16xf32>
      %add3A_95 = arith.addf %broadcast_in_dim3A_70, %mul3A_94 : vector<16xf32>
      %get3A_96 = arith.index_cast %add3A_62 : i32 to index
      %get3A_97 = arith.constant 16 : index
      %get3A_98 = tpu.vector_load %arg9[%get3A_96, %get3A_97] {strides = array<i32>} : memref<32x256xf32, #tpu.memory_space<vmem>>, vector<1x16xf32>,
      %get3A_99 = vector.shape_cast %get3A_98 : vector<1x16xf32> to vector<16xf32>
      %get3A_100 = arith.constant 0 : i32
      %get3A_101 = arith.index_cast %add3A_62 : i32 to index
      %get3A_102 = arith.index_cast %get3A_100 : i32 to index
      %get3A_103 = arith.constant 16 : index
      %get3A_104 = tpu.vector_load %arg10[%get3A_101, %get3A_102, %get3A_103] {strides = array<i32>} : memref<32x2x128xf32, #tpu.memory_space<vmem>>, vector<1x1x16xf32>,
      %get3A_105 = vector.shape_cast %get3A_104 : vector<1x1x16xf32> to vector<16xf32>
      %sub3A_106 = arith.subf %get3A_99, %get3A_105 : vector<16xf32>
      %get3A_107 = arith.constant 0 : i32
      %get3A_108 = arith.index_cast %add3A_62 : i32 to index
      %get3A_109 = arith.index_cast %get3A_107 : i32 to index
      %get3A_110 = arith.constant 16 : index
      %get3A_111 = tpu.vector_load %arg11[%get3A_108, %get3A_109, %get3A_110] {strides = array<i32>} : memref<32x2x128xf32, #tpu.memory_space<vmem>>, vector<1x1x16xf32>,
      %get3A_112 = vector.shape_cast %get3A_111 : vector<1x1x16xf32> to vector<16xf32>
      %sub3A_113 = arith.subf %get3A_99, %get3A_112 : vector<16xf32>
      %mul3A_114 = arith.mulf %sub3A_106, %sub3A_106 : vector<16xf32>
      %mul3A_115 = arith.mulf %sub3A_113, %sub3A_113 : vector<16xf32>
      %add3A_116 = arith.addf %add3A_90, %mul3A_114 : vector<16xf32>
      %add3A_117 = arith.addf %add3A_91, %mul3A_115 : vector<16xf32>
      %mul3A_118 = arith.mulf %mul3A_114, %mul3A_114 : vector<16xf32>
      %add3A_119 = arith.addf %add3A_93, %mul3A_118 : vector<16xf32>
      %mul3A_120 = arith.mulf %mul3A_115, %mul3A_115 : vector<16xf32>
      %add3A_121 = arith.addf %add3A_95, %mul3A_120 : vector<16xf32>
      %get3A_122 = arith.index_cast %add3A_62 : i32 to index
      %get3A_123 = arith.constant 32 : index
      %get3A_124 = tpu.vector_load %arg9[%get3A_122, %get3A_123] {strides = array<i32>} : memref<32x256xf32, #tpu.memory_space<vmem>>, vector<1x16xf32>,
      %get3A_125 = vector.shape_cast %get3A_124 : vector<1x16xf32> to vector<16xf32>
      %get3A_126 = arith.constant 0 : i32
      %get3A_127 = arith.index_cast %add3A_62 : i32 to index
      %get3A_128 = arith.index_cast %get3A_126 : i32 to index
      %get3A_129 = arith.constant 32 : index
      %get3A_130 = tpu.vector_load %arg10[%get3A_127, %get3A_128, %get3A_129] {strides = array<i32>} : memref<32x2x128xf32, #tpu.memory_space<vmem>>, vector<1x1x16xf32>,
      %get3A_131 = vector.shape_cast %get3A_130 : vector<1x1x16xf32> to vector<16xf32>
      %sub3A_132 = arith.subf %get3A_125, %get3A_131 : vector<16xf32>
      %get3A_133 = arith.constant 0 : i32
      %get3A_134 = arith.index_cast %add3A_62 : i32 to index
      %get3A_135 = arith.index_cast %get3A_133 : i32 to index
      %get3A_136 = arith.constant 32 : index
      %get3A_137 = tpu.vector_load %arg11[%get3A_134, %get3A_135, %get3A_136] {strides = array<i32>} : memref<32x2x128xf32, #tpu.memory_space<vmem>>, vector<1x1x16xf32>,
      %get3A_138 = vector.shape_cast %get3A_137 : vector<1x1x16xf32> to vector<16xf32>
      %sub3A_139 = arith.subf %get3A_125, %get3A_138 : vector<16xf32>
      %mul3A_140 = arith.mulf %sub3A_132, %sub3A_132 : vector<16xf32>
      %mul3A_141 = arith.mulf %sub3A_139, %sub3A_139 : vector<16xf32>
      %add3A_142 = arith.addf %add3A_116, %mul3A_140 : vector<16xf32>
      %add3A_143 = arith.addf %add3A_117, %mul3A_141 : vector<16xf32>
      %mul3A_144 = arith.mulf %mul3A_140, %mul3A_140 : vector<16xf32>
      %add3A_145 = arith.addf %add3A_119, %mul3A_144 : vector<16xf32>
      %mul3A_146 = arith.mulf %mul3A_141, %mul3A_141 : vector<16xf32>
      %add3A_147 = arith.addf %add3A_121, %mul3A_146 : vector<16xf32>
      %get3A_148 = arith.index_cast %add3A_62 : i32 to index
      %get3A_149 = arith.constant 48 : index
      %get3A_150 = tpu.vector_load %arg9[%get3A_148, %get3A_149] {strides = array<i32>} : memref<32x256xf32, #tpu.memory_space<vmem>>, vector<1x16xf32>,
      %get3A_151 = vector.shape_cast %get3A_150 : vector<1x16xf32> to vector<16xf32>
      %get3A_152 = arith.constant 0 : i32
      %get3A_153 = arith.index_cast %add3A_62 : i32 to index
      %get3A_154 = arith.index_cast %get3A_152 : i32 to index
      %get3A_155 = arith.constant 48 : index
      %get3A_156 = tpu.vector_load %arg10[%get3A_153, %get3A_154, %get3A_155] {strides = array<i32>} : memref<32x2x128xf32, #tpu.memory_space<vmem>>, vector<1x1x16xf32>,
      %get3A_157 = vector.shape_cast %get3A_156 : vector<1x1x16xf32> to vector<16xf32>
      %sub3A_158 = arith.subf %get3A_151, %get3A_157 : vector<16xf32>
      %get3A_159 = arith.constant 0 : i32
      %get3A_160 = arith.index_cast %add3A_62 : i32 to index
      %get3A_161 = arith.index_cast %get3A_159 : i32 to index
      %get3A_162 = arith.constant 48 : index
      %get3A_163 = tpu.vector_load %arg11[%get3A_160, %get3A_161, %get3A_162] {strides = array<i32>} : memref<32x2x128xf32, #tpu.memory_space<vmem>>, vector<1x1x16xf32>,
      %get3A_164 = vector.shape_cast %get3A_163 : vector<1x1x16xf32> to vector<16xf32>
      %sub3A_165 = arith.subf %get3A_151, %get3A_164 : vector<16xf32>
      %mul3A_166 = arith.mulf %sub3A_158, %sub3A_158 : vector<16xf32>
      %mul3A_167 = arith.mulf %sub3A_165, %sub3A_165 : vector<16xf32>
      %add3A_168 = arith.addf %add3A_142, %mul3A_166 : vector<16xf32>
      %add3A_169 = arith.addf %add3A_143, %mul3A_167 : vector<16xf32>
      %mul3A_170 = arith.mulf %mul3A_166, %mul3A_166 : vector<16xf32>
      %add3A_171 = arith.addf %add3A_145, %mul3A_170 : vector<16xf32>
      %mul3A_172 = arith.mulf %mul3A_167, %mul3A_167 : vector<16xf32>
      %add3A_173 = arith.addf %add3A_147, %mul3A_172 : vector<16xf32>
      %get3A_174 = arith.index_cast %add3A_62 : i32 to index
      %get3A_175 = arith.constant 64 : index
      %get3A_176 = tpu.vector_load %arg9[%get3A_174, %get3A_175] {strides = array<i32>} : memref<32x256xf32, #tpu.memory_space<vmem>>, vector<1x16xf32>,
      %get3A_177 = vector.shape_cast %get3A_176 : vector<1x16xf32> to vector<16xf32>
      %get3A_178 = arith.constant 0 : i32
      %get3A_179 = arith.index_cast %add3A_62 : i32 to index
      %get3A_180 = arith.index_cast %get3A_178 : i32 to index
      %get3A_181 = arith.constant 64 : index
      %get3A_182 = tpu.vector_load %arg10[%get3A_179, %get3A_180, %get3A_181] {strides = array<i32>} : memref<32x2x128xf32, #tpu.memory_space<vmem>>, vector<1x1x16xf32>,
      %get3A_183 = vector.shape_cast %get3A_182 : vector<1x1x16xf32> to vector<16xf32>
      %sub3A_184 = arith.subf %get3A_177, %get3A_183 : vector<16xf32>
      %get3A_185 = arith.constant 0 : i32
      %get3A_186 = arith.index_cast %add3A_62 : i32 to index
      %get3A_187 = arith.index_cast %get3A_185 : i32 to index
      %get3A_188 = arith.constant 64 : index
      %get3A_189 = tpu.vector_load %arg11[%get3A_186, %get3A_187, %get3A_188] {strides = array<i32>} : memref<32x2x128xf32, #tpu.memory_space<vmem>>, vector<1x1x16xf32>,
      %get3A_190 = vector.shape_cast %get3A_189 : vector<1x1x16xf32> to vector<16xf32>
      %sub3A_191 = arith.subf %get3A_177, %get3A_190 : vector<16xf32>
      %mul3A_192 = arith.mulf %sub3A_184, %sub3A_184 : vector<16xf32>
      %mul3A_193 = arith.mulf %sub3A_191, %sub3A_191 : vector<16xf32>
      %add3A_194 = arith.addf %add3A_168, %mul3A_192 : vector<16xf32>
      %add3A_195 = arith.addf %add3A_169, %mul3A_193 : vector<16xf32>
      %mul3A_196 = arith.mulf %mul3A_192, %mul3A_192 : vector<16xf32>
      %add3A_197 = arith.addf %add3A_171, %mul3A_196 : vector<16xf32>
      %mul3A_198 = arith.mulf %mul3A_193, %mul3A_193 : vector<16xf32>
      %add3A_199 = arith.addf %add3A_173, %mul3A_198 : vector<16xf32>
      %get3A_200 = arith.index_cast %add3A_62 : i32 to index
      %get3A_201 = arith.constant 80 : index
      %get3A_202 = tpu.vector_load %arg9[%get3A_200, %get3A_201] {strides = array<i32>} : memref<32x256xf32, #tpu.memory_space<vmem>>, vector<1x16xf32>,
      %get3A_203 = vector.shape_cast %get3A_202 : vector<1x16xf32> to vector<16xf32>
      %get3A_204 = arith.constant 0 : i32
      %get3A_205 = arith.index_cast %add3A_62 : i32 to index
      %get3A_206 = arith.index_cast %get3A_204 : i32 to index
      %get3A_207 = arith.constant 80 : index
      %get3A_208 = tpu.vector_load %arg10[%get3A_205, %get3A_206, %get3A_207] {strides = array<i32>} : memref<32x2x128xf32, #tpu.memory_space<vmem>>, vector<1x1x16xf32>,
      %get3A_209 = vector.shape_cast %get3A_208 : vector<1x1x16xf32> to vector<16xf32>
      %sub3A_210 = arith.subf %get3A_203, %get3A_209 : vector<16xf32>
      %get3A_211 = arith.constant 0 : i32
      %get3A_212 = arith.index_cast %add3A_62 : i32 to index
      %get3A_213 = arith.index_cast %get3A_211 : i32 to index
      %get3A_214 = arith.constant 80 : index
      %get3A_215 = tpu.vector_load %arg11[%get3A_212, %get3A_213, %get3A_214] {strides = array<i32>} : memref<32x2x128xf32, #tpu.memory_space<vmem>>, vector<1x1x16xf32>,
      %get3A_216 = vector.shape_cast %get3A_215 : vector<1x1x16xf32> to vector<16xf32>
      %sub3A_217 = arith.subf %get3A_203, %get3A_216 : vector<16xf32>
      %mul3A_218 = arith.mulf %sub3A_210, %sub3A_210 : vector<16xf32>
      %mul3A_219 = arith.mulf %sub3A_217, %sub3A_217 : vector<16xf32>
      %add3A_220 = arith.addf %add3A_194, %mul3A_218 : vector<16xf32>
      %add3A_221 = arith.addf %add3A_195, %mul3A_219 : vector<16xf32>
      %mul3A_222 = arith.mulf %mul3A_218, %mul3A_218 : vector<16xf32>
      %add3A_223 = arith.addf %add3A_197, %mul3A_222 : vector<16xf32>
      %mul3A_224 = arith.mulf %mul3A_219, %mul3A_219 : vector<16xf32>
      %add3A_225 = arith.addf %add3A_199, %mul3A_224 : vector<16xf32>
      %get3A_226 = arith.index_cast %add3A_62 : i32 to index
      %get3A_227 = arith.constant 96 : index
      %get3A_228 = tpu.vector_load %arg9[%get3A_226, %get3A_227] {strides = array<i32>} : memref<32x256xf32, #tpu.memory_space<vmem>>, vector<1x16xf32>,
      %get3A_229 = vector.shape_cast %get3A_228 : vector<1x16xf32> to vector<16xf32>
      %get3A_230 = arith.constant 0 : i32
      %get3A_231 = arith.index_cast %add3A_62 : i32 to index
      %get3A_232 = arith.index_cast %get3A_230 : i32 to index
      %get3A_233 = arith.constant 96 : index
      %get3A_234 = tpu.vector_load %arg10[%get3A_231, %get3A_232, %get3A_233] {strides = array<i32>} : memref<32x2x128xf32, #tpu.memory_space<vmem>>, vector<1x1x16xf32>,
      %get3A_235 = vector.shape_cast %get3A_234 : vector<1x1x16xf32> to vector<16xf32>
      %sub3A_236 = arith.subf %get3A_229, %get3A_235 : vector<16xf32>
      %get3A_237 = arith.constant 0 : i32
      %get3A_238 = arith.index_cast %add3A_62 : i32 to index
      %get3A_239 = arith.index_cast %get3A_237 : i32 to index
      %get3A_240 = arith.constant 96 : index
      %get3A_241 = tpu.vector_load %arg11[%get3A_238, %get3A_239, %get3A_240] {strides = array<i32>} : memref<32x2x128xf32, #tpu.memory_space<vmem>>, vector<1x1x16xf32>,
      %get3A_242 = vector.shape_cast %get3A_241 : vector<1x1x16xf32> to vector<16xf32>
      %sub3A_243 = arith.subf %get3A_229, %get3A_242 : vector<16xf32>
      %mul3A_244 = arith.mulf %sub3A_236, %sub3A_236 : vector<16xf32>
      %mul3A_245 = arith.mulf %sub3A_243, %sub3A_243 : vector<16xf32>
      %add3A_246 = arith.addf %add3A_220, %mul3A_244 : vector<16xf32>
      %add3A_247 = arith.addf %add3A_221, %mul3A_245 : vector<16xf32>
      %mul3A_248 = arith.mulf %mul3A_244, %mul3A_244 : vector<16xf32>
      %add3A_249 = arith.addf %add3A_223, %mul3A_248 : vector<16xf32>
      %mul3A_250 = arith.mulf %mul3A_245, %mul3A_245 : vector<16xf32>
      %add3A_251 = arith.addf %add3A_225, %mul3A_250 : vector<16xf32>
      %get3A_252 = arith.index_cast %add3A_62 : i32 to index
      %get3A_253 = arith.constant 112 : index
      %get3A_254 = tpu.vector_load %arg9[%get3A_252, %get3A_253] {strides = array<i32>} : memref<32x256xf32, #tpu.memory_space<vmem>>, vector<1x16xf32>,
      %get3A_255 = vector.shape_cast %get3A_254 : vector<1x16xf32> to vector<16xf32>
      %get3A_256 = arith.constant 0 : i32
      %get3A_257 = arith.index_cast %add3A_62 : i32 to index
      %get3A_258 = arith.index_cast %get3A_256 : i32 to index
      %get3A_259 = arith.constant 112 : index
      %get3A_260 = tpu.vector_load %arg10[%get3A_257, %get3A_258, %get3A_259] {strides = array<i32>} : memref<32x2x128xf32, #tpu.memory_space<vmem>>, vector<1x1x16xf32>,
      %get3A_261 = vector.shape_cast %get3A_260 : vector<1x1x16xf32> to vector<16xf32>
      %sub3A_262 = arith.subf %get3A_255, %get3A_261 : vector<16xf32>
      %get3A_263 = arith.constant 0 : i32
      %get3A_264 = arith.index_cast %add3A_62 : i32 to index
      %get3A_265 = arith.index_cast %get3A_263 : i32 to index
      %get3A_266 = arith.constant 112 : index
      %get3A_267 = tpu.vector_load %arg11[%get3A_264, %get3A_265, %get3A_266] {strides = array<i32>} : memref<32x2x128xf32, #tpu.memory_space<vmem>>, vector<1x1x16xf32>,
      %get3A_268 = vector.shape_cast %get3A_267 : vector<1x1x16xf32> to vector<16xf32>
      %sub3A_269 = arith.subf %get3A_255, %get3A_268 : vector<16xf32>
      %mul3A_270 = arith.mulf %sub3A_262, %sub3A_262 : vector<16xf32>
      %mul3A_271 = arith.mulf %sub3A_269, %sub3A_269 : vector<16xf32>
      %add3A_272 = arith.addf %add3A_246, %mul3A_270 : vector<16xf32>
      %add3A_273 = arith.addf %add3A_247, %mul3A_271 : vector<16xf32>
      %mul3A_274 = arith.mulf %mul3A_270, %mul3A_270 : vector<16xf32>
      %add3A_275 = arith.addf %add3A_249, %mul3A_274 : vector<16xf32>
      %mul3A_276 = arith.mulf %mul3A_271, %mul3A_271 : vector<16xf32>
      %add3A_277 = arith.addf %add3A_251, %mul3A_276 : vector<16xf32>
      %get3A_278 = arith.index_cast %add3A_62 : i32 to index
      %get3A_279 = arith.constant 128 : index
      %get3A_280 = tpu.vector_load %arg9[%get3A_278, %get3A_279] {strides = array<i32>} : memref<32x256xf32, #tpu.memory_space<vmem>>, vector<1x16xf32>,
      %get3A_281 = vector.shape_cast %get3A_280 : vector<1x16xf32> to vector<16xf32>
      %get3A_282 = arith.constant 1 : i32
      %get3A_283 = arith.index_cast %add3A_62 : i32 to index
      %get3A_284 = arith.index_cast %get3A_282 : i32 to index
      %get3A_285 = arith.constant 0 : index
      %get3A_286 = tpu.vector_load %arg10[%get3A_283, %get3A_284, %get3A_285] {strides = array<i32>} : memref<32x2x128xf32, #tpu.memory_space<vmem>>, vector<1x1x16xf32>,
      %get3A_287 = vector.shape_cast %get3A_286 : vector<1x1x16xf32> to vector<16xf32>
      %sub3A_288 = arith.subf %get3A_281, %get3A_287 : vector<16xf32>
      %get3A_289 = arith.constant 1 : i32
      %get3A_290 = arith.index_cast %add3A_62 : i32 to index
      %get3A_291 = arith.index_cast %get3A_289 : i32 to index
      %get3A_292 = arith.constant 0 : index
      %get3A_293 = tpu.vector_load %arg11[%get3A_290, %get3A_291, %get3A_292] {strides = array<i32>} : memref<32x2x128xf32, #tpu.memory_space<vmem>>, vector<1x1x16xf32>,
      %get3A_294 = vector.shape_cast %get3A_293 : vector<1x1x16xf32> to vector<16xf32>
      %sub3A_295 = arith.subf %get3A_281, %get3A_294 : vector<16xf32>
      %mul3A_296 = arith.mulf %sub3A_288, %sub3A_288 : vector<16xf32>
      %mul3A_297 = arith.mulf %sub3A_295, %sub3A_295 : vector<16xf32>
      %add3A_298 = arith.addf %add3A_272, %mul3A_296 : vector<16xf32>
      %add3A_299 = arith.addf %add3A_273, %mul3A_297 : vector<16xf32>
      %mul3A_300 = arith.mulf %mul3A_296, %mul3A_296 : vector<16xf32>
      %add3A_301 = arith.addf %add3A_275, %mul3A_300 : vector<16xf32>
      %mul3A_302 = arith.mulf %mul3A_297, %mul3A_297 : vector<16xf32>
      %add3A_303 = arith.addf %add3A_277, %mul3A_302 : vector<16xf32>
      %get3A_304 = arith.index_cast %add3A_62 : i32 to index
      %get3A_305 = arith.constant 144 : index
      %get3A_306 = tpu.vector_load %arg9[%get3A_304, %get3A_305] {strides = array<i32>} : memref<32x256xf32, #tpu.memory_space<vmem>>, vector<1x16xf32>,
      %get3A_307 = vector.shape_cast %get3A_306 : vector<1x16xf32> to vector<16xf32>
      %get3A_308 = arith.constant 1 : i32
      %get3A_309 = arith.index_cast %add3A_62 : i32 to index
      %get3A_310 = arith.index_cast %get3A_308 : i32 to index
      %get3A_311 = arith.constant 16 : index
      %get3A_312 = tpu.vector_load %arg10[%get3A_309, %get3A_310, %get3A_311] {strides = array<i32>} : memref<32x2x128xf32, #tpu.memory_space<vmem>>, vector<1x1x16xf32>,
      %get3A_313 = vector.shape_cast %get3A_312 : vector<1x1x16xf32> to vector<16xf32>
      %sub3A_314 = arith.subf %get3A_307, %get3A_313 : vector<16xf32>
      %get3A_315 = arith.constant 1 : i32
      %get3A_316 = arith.index_cast %add3A_62 : i32 to index
      %get3A_317 = arith.index_cast %get3A_315 : i32 to index
      %get3A_318 = arith.constant 16 : index
      %get3A_319 = tpu.vector_load %arg11[%get3A_316, %get3A_317, %get3A_318] {strides = array<i32>} : memref<32x2x128xf32, #tpu.memory_space<vmem>>, vector<1x1x16xf32>,
      %get3A_320 = vector.shape_cast %get3A_319 : vector<1x1x16xf32> to vector<16xf32>
      %sub3A_321 = arith.subf %get3A_307, %get3A_320 : vector<16xf32>
      %mul3A_322 = arith.mulf %sub3A_314, %sub3A_314 : vector<16xf32>
      %mul3A_323 = arith.mulf %sub3A_321, %sub3A_321 : vector<16xf32>
      %add3A_324 = arith.addf %add3A_298, %mul3A_322 : vector<16xf32>
      %add3A_325 = arith.addf %add3A_299, %mul3A_323 : vector<16xf32>
      %mul3A_326 = arith.mulf %mul3A_322, %mul3A_322 : vector<16xf32>
      %add3A_327 = arith.addf %add3A_301, %mul3A_326 : vector<16xf32>
      %mul3A_328 = arith.mulf %mul3A_323, %mul3A_323 : vector<16xf32>
      %add3A_329 = arith.addf %add3A_303, %mul3A_328 : vector<16xf32>
      %get3A_330 = arith.index_cast %add3A_62 : i32 to index
      %get3A_331 = arith.constant 160 : index
      %get3A_332 = tpu.vector_load %arg9[%get3A_330, %get3A_331] {strides = array<i32>} : memref<32x256xf32, #tpu.memory_space<vmem>>, vector<1x16xf32>,
      %get3A_333 = vector.shape_cast %get3A_332 : vector<1x16xf32> to vector<16xf32>
      %get3A_334 = arith.constant 1 : i32
      %get3A_335 = arith.index_cast %add3A_62 : i32 to index
      %get3A_336 = arith.index_cast %get3A_334 : i32 to index
      %get3A_337 = arith.constant 32 : index
      %get3A_338 = tpu.vector_load %arg10[%get3A_335, %get3A_336, %get3A_337] {strides = array<i32>} : memref<32x2x128xf32, #tpu.memory_space<vmem>>, vector<1x1x16xf32>,
      %get3A_339 = vector.shape_cast %get3A_338 : vector<1x1x16xf32> to vector<16xf32>
      %sub3A_340 = arith.subf %get3A_333, %get3A_339 : vector<16xf32>
      %get3A_341 = arith.constant 1 : i32
      %get3A_342 = arith.index_cast %add3A_62 : i32 to index
      %get3A_343 = arith.index_cast %get3A_341 : i32 to index
      %get3A_344 = arith.constant 32 : index
      %get3A_345 = tpu.vector_load %arg11[%get3A_342, %get3A_343, %get3A_344] {strides = array<i32>} : memref<32x2x128xf32, #tpu.memory_space<vmem>>, vector<1x1x16xf32>,
      %get3A_346 = vector.shape_cast %get3A_345 : vector<1x1x16xf32> to vector<16xf32>
      %sub3A_347 = arith.subf %get3A_333, %get3A_346 : vector<16xf32>
      %mul3A_348 = arith.mulf %sub3A_340, %sub3A_340 : vector<16xf32>
      %mul3A_349 = arith.mulf %sub3A_347, %sub3A_347 : vector<16xf32>
      %add3A_350 = arith.addf %add3A_324, %mul3A_348 : vector<16xf32>
      %add3A_351 = arith.addf %add3A_325, %mul3A_349 : vector<16xf32>
      %mul3A_352 = arith.mulf %mul3A_348, %mul3A_348 : vector<16xf32>
      %add3A_353 = arith.addf %add3A_327, %mul3A_352 : vector<16xf32>
      %mul3A_354 = arith.mulf %mul3A_349, %mul3A_349 : vector<16xf32>
      %add3A_355 = arith.addf %add3A_329, %mul3A_354 : vector<16xf32>
      %get3A_356 = arith.index_cast %add3A_62 : i32 to index
      %get3A_357 = arith.constant 176 : index
      %get3A_358 = tpu.vector_load %arg9[%get3A_356, %get3A_357] {strides = array<i32>} : memref<32x256xf32, #tpu.memory_space<vmem>>, vector<1x16xf32>,
      %get3A_359 = vector.shape_cast %get3A_358 : vector<1x16xf32> to vector<16xf32>
      %get3A_360 = arith.constant 1 : i32
      %get3A_361 = arith.index_cast %add3A_62 : i32 to index
      %get3A_362 = arith.index_cast %get3A_360 : i32 to index
      %get3A_363 = arith.constant 48 : index
      %get3A_364 = tpu.vector_load %arg10[%get3A_361, %get3A_362, %get3A_363] {strides = array<i32>} : memref<32x2x128xf32, #tpu.memory_space<vmem>>, vector<1x1x16xf32>,
      %get3A_365 = vector.shape_cast %get3A_364 : vector<1x1x16xf32> to vector<16xf32>
      %sub3A_366 = arith.subf %get3A_359, %get3A_365 : vector<16xf32>
      %get3A_367 = arith.constant 1 : i32
      %get3A_368 = arith.index_cast %add3A_62 : i32 to index
      %get3A_369 = arith.index_cast %get3A_367 : i32 to index
      %get3A_370 = arith.constant 48 : index
      %get3A_371 = tpu.vector_load %arg11[%get3A_368, %get3A_369, %get3A_370] {strides = array<i32>} : memref<32x2x128xf32, #tpu.memory_space<vmem>>, vector<1x1x16xf32>,
      %get3A_372 = vector.shape_cast %get3A_371 : vector<1x1x16xf32> to vector<16xf32>
      %sub3A_373 = arith.subf %get3A_359, %get3A_372 : vector<16xf32>
      %mul3A_374 = arith.mulf %sub3A_366, %sub3A_366 : vector<16xf32>
      %mul3A_375 = arith.mulf %sub3A_373, %sub3A_373 : vector<16xf32>
      %add3A_376 = arith.addf %add3A_350, %mul3A_374 : vector<16xf32>
      %add3A_377 = arith.addf %add3A_351, %mul3A_375 : vector<16xf32>
      %mul3A_378 = arith.mulf %mul3A_374, %mul3A_374 : vector<16xf32>
      %add3A_379 = arith.addf %add3A_353, %mul3A_378 : vector<16xf32>
      %mul3A_380 = arith.mulf %mul3A_375, %mul3A_375 : vector<16xf32>
      %add3A_381 = arith.addf %add3A_355, %mul3A_380 : vector<16xf32>
      %get3A_382 = arith.index_cast %add3A_62 : i32 to index
      %get3A_383 = arith.constant 192 : index
      %get3A_384 = tpu.vector_load %arg9[%get3A_382, %get3A_383] {strides = array<i32>} : memref<32x256xf32, #tpu.memory_space<vmem>>, vector<1x16xf32>,
      %get3A_385 = vector.shape_cast %get3A_384 : vector<1x16xf32> to vector<16xf32>
      %get3A_386 = arith.constant 1 : i32
      %get3A_387 = arith.index_cast %add3A_62 : i32 to index
      %get3A_388 = arith.index_cast %get3A_386 : i32 to index
      %get3A_389 = arith.constant 64 : index
      %get3A_390 = tpu.vector_load %arg10[%get3A_387, %get3A_388, %get3A_389] {strides = array<i32>} : memref<32x2x128xf32, #tpu.memory_space<vmem>>, vector<1x1x16xf32>,
      %get3A_391 = vector.shape_cast %get3A_390 : vector<1x1x16xf32> to vector<16xf32>
      %sub3A_392 = arith.subf %get3A_385, %get3A_391 : vector<16xf32>
      %get3A_393 = arith.constant 1 : i32
      %get3A_394 = arith.index_cast %add3A_62 : i32 to index
      %get3A_395 = arith.index_cast %get3A_393 : i32 to index
      %get3A_396 = arith.constant 64 : index
      %get3A_397 = tpu.vector_load %arg11[%get3A_394, %get3A_395, %get3A_396] {strides = array<i32>} : memref<32x2x128xf32, #tpu.memory_space<vmem>>, vector<1x1x16xf32>,
      %get3A_398 = vector.shape_cast %get3A_397 : vector<1x1x16xf32> to vector<16xf32>
      %sub3A_399 = arith.subf %get3A_385, %get3A_398 : vector<16xf32>
      %mul3A_400 = arith.mulf %sub3A_392, %sub3A_392 : vector<16xf32>
      %mul3A_401 = arith.mulf %sub3A_399, %sub3A_399 : vector<16xf32>
      %add3A_402 = arith.addf %add3A_376, %mul3A_400 : vector<16xf32>
      %add3A_403 = arith.addf %add3A_377, %mul3A_401 : vector<16xf32>
      %mul3A_404 = arith.mulf %mul3A_400, %mul3A_400 : vector<16xf32>
      %add3A_405 = arith.addf %add3A_379, %mul3A_404 : vector<16xf32>
      %mul3A_406 = arith.mulf %mul3A_401, %mul3A_401 : vector<16xf32>
      %add3A_407 = arith.addf %add3A_381, %mul3A_406 : vector<16xf32>
      %get3A_408 = arith.index_cast %add3A_62 : i32 to index
      %get3A_409 = arith.constant 208 : index
      %get3A_410 = tpu.vector_load %arg9[%get3A_408, %get3A_409] {strides = array<i32>} : memref<32x256xf32, #tpu.memory_space<vmem>>, vector<1x16xf32>,
      %get3A_411 = vector.shape_cast %get3A_410 : vector<1x16xf32> to vector<16xf32>
      %get3A_412 = arith.constant 1 : i32
      %get3A_413 = arith.index_cast %add3A_62 : i32 to index
      %get3A_414 = arith.index_cast %get3A_412 : i32 to index
      %get3A_415 = arith.constant 80 : index
      %get3A_416 = tpu.vector_load %arg10[%get3A_413, %get3A_414, %get3A_415] {strides = array<i32>} : memref<32x2x128xf32, #tpu.memory_space<vmem>>, vector<1x1x16xf32>,
      %get3A_417 = vector.shape_cast %get3A_416 : vector<1x1x16xf32> to vector<16xf32>
      %sub3A_418 = arith.subf %get3A_411, %get3A_417 : vector<16xf32>
      %get3A_419 = arith.constant 1 : i32
      %get3A_420 = arith.index_cast %add3A_62 : i32 to index
      %get3A_421 = arith.index_cast %get3A_419 : i32 to index
      %get3A_422 = arith.constant 80 : index
      %get3A_423 = tpu.vector_load %arg11[%get3A_420, %get3A_421, %get3A_422] {strides = array<i32>} : memref<32x2x128xf32, #tpu.memory_space<vmem>>, vector<1x1x16xf32>,
      %get3A_424 = vector.shape_cast %get3A_423 : vector<1x1x16xf32> to vector<16xf32>
      %sub3A_425 = arith.subf %get3A_411, %get3A_424 : vector<16xf32>
      %mul3A_426 = arith.mulf %sub3A_418, %sub3A_418 : vector<16xf32>
      %mul3A_427 = arith.mulf %sub3A_425, %sub3A_425 : vector<16xf32>
      %add3A_428 = arith.addf %add3A_402, %mul3A_426 : vector<16xf32>
      %add3A_429 = arith.addf %add3A_403, %mul3A_427 : vector<16xf32>
      %mul3A_430 = arith.mulf %mul3A_426, %mul3A_426 : vector<16xf32>
      %add3A_431 = arith.addf %add3A_405, %mul3A_430 : vector<16xf32>
      %mul3A_432 = arith.mulf %mul3A_427, %mul3A_427 : vector<16xf32>
      %add3A_433 = arith.addf %add3A_407, %mul3A_432 : vector<16xf32>
      %get3A_434 = arith.index_cast %add3A_62 : i32 to index
      %get3A_435 = arith.constant 224 : index
      %get3A_436 = tpu.vector_load %arg9[%get3A_434, %get3A_435] {strides = array<i32>} : memref<32x256xf32, #tpu.memory_space<vmem>>, vector<1x16xf32>,
      %get3A_437 = vector.shape_cast %get3A_436 : vector<1x16xf32> to vector<16xf32>
      %get3A_438 = arith.constant 1 : i32
      %get3A_439 = arith.index_cast %add3A_62 : i32 to index
      %get3A_440 = arith.index_cast %get3A_438 : i32 to index
      %get3A_441 = arith.constant 96 : index
      %get3A_442 = tpu.vector_load %arg10[%get3A_439, %get3A_440, %get3A_441] {strides = array<i32>} : memref<32x2x128xf32, #tpu.memory_space<vmem>>, vector<1x1x16xf32>,
      %get3A_443 = vector.shape_cast %get3A_442 : vector<1x1x16xf32> to vector<16xf32>
      %sub3A_444 = arith.subf %get3A_437, %get3A_443 : vector<16xf32>
      %get3A_445 = arith.constant 1 : i32
      %get3A_446 = arith.index_cast %add3A_62 : i32 to index
      %get3A_447 = arith.index_cast %get3A_445 : i32 to index
      %get3A_448 = arith.constant 96 : index
      %get3A_449 = tpu.vector_load %arg11[%get3A_446, %get3A_447, %get3A_448] {strides = array<i32>} : memref<32x2x128xf32, #tpu.memory_space<vmem>>, vector<1x1x16xf32>,
      %get3A_450 = vector.shape_cast %get3A_449 : vector<1x1x16xf32> to vector<16xf32>
      %sub3A_451 = arith.subf %get3A_437, %get3A_450 : vector<16xf32>
      %mul3A_452 = arith.mulf %sub3A_444, %sub3A_444 : vector<16xf32>
      %mul3A_453 = arith.mulf %sub3A_451, %sub3A_451 : vector<16xf32>
      %add3A_454 = arith.addf %add3A_428, %mul3A_452 : vector<16xf32>
      %add3A_455 = arith.addf %add3A_429, %mul3A_453 : vector<16xf32>
      %mul3A_456 = arith.mulf %mul3A_452, %mul3A_452 : vector<16xf32>
      %add3A_457 = arith.addf %add3A_431, %mul3A_456 : vector<16xf32>
      %mul3A_458 = arith.mulf %mul3A_453, %mul3A_453 : vector<16xf32>
      %add3A_459 = arith.addf %add3A_433, %mul3A_458 : vector<16xf32>
      %get3A_460 = arith.index_cast %add3A_62 : i32 to index
      %get3A_461 = arith.constant 240 : index
      %get3A_462 = tpu.vector_load %arg9[%get3A_460, %get3A_461] {strides = array<i32>} : memref<32x256xf32, #tpu.memory_space<vmem>>, vector<1x16xf32>,
      %get3A_463 = vector.shape_cast %get3A_462 : vector<1x16xf32> to vector<16xf32>
      %get3A_464 = arith.constant 1 : i32
      %get3A_465 = arith.index_cast %add3A_62 : i32 to index
      %get3A_466 = arith.index_cast %get3A_464 : i32 to index
      %get3A_467 = arith.constant 112 : index
      %get3A_468 = tpu.vector_load %arg10[%get3A_465, %get3A_466, %get3A_467] {strides = array<i32>} : memref<32x2x128xf32, #tpu.memory_space<vmem>>, vector<1x1x16xf32>,
      %get3A_469 = vector.shape_cast %get3A_468 : vector<1x1x16xf32> to vector<16xf32>
      %sub3A_470 = arith.subf %get3A_463, %get3A_469 : vector<16xf32>
      %get3A_471 = arith.constant 1 : i32
      %get3A_472 = arith.index_cast %add3A_62 : i32 to index
      %get3A_473 = arith.index_cast %get3A_471 : i32 to index
      %get3A_474 = arith.constant 112 : index
      %get3A_475 = tpu.vector_load %arg11[%get3A_472, %get3A_473, %get3A_474] {strides = array<i32>} : memref<32x2x128xf32, #tpu.memory_space<vmem>>, vector<1x1x16xf32>,
      %get3A_476 = vector.shape_cast %get3A_475 : vector<1x1x16xf32> to vector<16xf32>
      %sub3A_477 = arith.subf %get3A_463, %get3A_476 : vector<16xf32>
      %mul3A_478 = arith.mulf %sub3A_470, %sub3A_470 : vector<16xf32>
      %mul3A_479 = arith.mulf %sub3A_477, %sub3A_477 : vector<16xf32>
      %add3A_480 = arith.addf %add3A_454, %mul3A_478 : vector<16xf32>
      %add3A_481 = arith.addf %add3A_455, %mul3A_479 : vector<16xf32>
      %mul3A_482 = arith.mulf %mul3A_478, %mul3A_478 : vector<16xf32>
      %add3A_483 = arith.addf %add3A_457, %mul3A_482 : vector<16xf32>
      %mul3A_484 = arith.mulf %mul3A_479, %mul3A_479 : vector<16xf32>
      %add3A_485 = arith.addf %add3A_459, %mul3A_484 : vector<16xf32>
      %eq3A_486 = vector.broadcast %scan3A_56 : i32 to vector<16xi32>
      %eq3A_487 = arith.cmpi eq, %iota3A, %eq3A_486 : vector<16xi32>
      %xor3A = arith.constant 8 : i32
      %xor3A_488 = vector.broadcast %xor3A : i32 to vector<16xi32>
      %xor3A_489 = arith.xori %iota3A, %xor3A_488 : vector<16xi32>
      %broadcast_in_dim3A_490 = vector.shape_cast %xor3A_489 : vector<16xi32> to vector<16x1xi32>
      %gather3A = vector.shape_cast %broadcast_in_dim3A_490 : vector<16x1xi32> to vector<16xi32>
      %gather3A_491 = tpu.dynamic_gather %add3A_480[%gather3A] in [0] : vector<16xf32>, vector<16xi32> -> vector<16xf32>
      %add3A_492 = arith.addf %add3A_480, %gather3A_491 : vector<16xf32>
      %xor3A_493 = arith.constant 4 : i32
      %xor3A_494 = vector.broadcast %xor3A_493 : i32 to vector<16xi32>
      %xor3A_495 = arith.xori %iota3A, %xor3A_494 : vector<16xi32>
      %broadcast_in_dim3A_496 = vector.shape_cast %xor3A_495 : vector<16xi32> to vector<16x1xi32>
      %gather3A_497 = vector.shape_cast %broadcast_in_dim3A_496 : vector<16x1xi32> to vector<16xi32>
      %gather3A_498 = tpu.dynamic_gather %add3A_492[%gather3A_497] in [0] : vector<16xf32>, vector<16xi32> -> vector<16xf32>
      %add3A_499 = arith.addf %add3A_492, %gather3A_498 : vector<16xf32>
      %xor3A_500 = arith.constant 2 : i32
      %xor3A_501 = vector.broadcast %xor3A_500 : i32 to vector<16xi32>
      %xor3A_502 = arith.xori %iota3A, %xor3A_501 : vector<16xi32>
      %broadcast_in_dim3A_503 = vector.shape_cast %xor3A_502 : vector<16xi32> to vector<16x1xi32>
      %gather3A_504 = vector.shape_cast %broadcast_in_dim3A_503 : vector<16x1xi32> to vector<16xi32>
      %gather3A_505 = tpu.dynamic_gather %add3A_499[%gather3A_504] in [0] : vector<16xf32>, vector<16xi32> -> vector<16xf32>
      %add3A_506 = arith.addf %add3A_499, %gather3A_505 : vector<16xf32>
      %xor3A_507 = arith.constant 1 : i32
      %xor3A_508 = vector.broadcast %xor3A_507 : i32 to vector<16xi32>
      %xor3A_509 = arith.xori %iota3A, %xor3A_508 : vector<16xi32>
      %broadcast_in_dim3A_510 = vector.shape_cast %xor3A_509 : vector<16xi32> to vector<16x1xi32>
      %gather3A_511 = vector.shape_cast %broadcast_in_dim3A_510 : vector<16x1xi32> to vector<16xi32>
      %gather3A_512 = tpu.dynamic_gather %add3A_506[%gather3A_511] in [0] : vector<16xf32>, vector<16xi32> -> vector<16xf32>
      %add3A_513 = arith.addf %add3A_506, %gather3A_512 : vector<16xf32>
      %select_n3A_514 = arith.select %eq3A_487, %add3A_513, %scan3A_57 : vector<16xi1>, vector<16xf32>
      %xor3A_515 = arith.constant 8 : i32
      %xor3A_516 = vector.broadcast %xor3A_515 : i32 to vector<16xi32>
      %xor3A_517 = arith.xori %iota3A, %xor3A_516 : vector<16xi32>
      %broadcast_in_dim3A_518 = vector.shape_cast %xor3A_517 : vector<16xi32> to vector<16x1xi32>
      %gather3A_519 = vector.shape_cast %broadcast_in_dim3A_518 : vector<16x1xi32> to vector<16xi32>
      %gather3A_520 = tpu.dynamic_gather %add3A_481[%gather3A_519] in [0] : vector<16xf32>, vector<16xi32> -> vector<16xf32>
      %add3A_521 = arith.addf %add3A_481, %gather3A_520 : vector<16xf32>
      %xor3A_522 = arith.constant 4 : i32
      %xor3A_523 = vector.broadcast %xor3A_522 : i32 to vector<16xi32>
      %xor3A_524 = arith.xori %iota3A, %xor3A_523 : vector<16xi32>
      %broadcast_in_dim3A_525 = vector.shape_cast %xor3A_524 : vector<16xi32> to vector<16x1xi32>
      %gather3A_526 = vector.shape_cast %broadcast_in_dim3A_525 : vector<16x1xi32> to vector<16xi32>
      %gather3A_527 = tpu.dynamic_gather %add3A_521[%gather3A_526] in [0] : vector<16xf32>, vector<16xi32> -> vector<16xf32>
      %add3A_528 = arith.addf %add3A_521, %gather3A_527 : vector<16xf32>
      %xor3A_529 = arith.constant 2 : i32
      %xor3A_530 = vector.broadcast %xor3A_529 : i32 to vector<16xi32>
      %xor3A_531 = arith.xori %iota3A, %xor3A_530 : vector<16xi32>
      %broadcast_in_dim3A_532 = vector.shape_cast %xor3A_531 : vector<16xi32> to vector<16x1xi32>
      %gather3A_533 = vector.shape_cast %broadcast_in_dim3A_532 : vector<16x1xi32> to vector<16xi32>
      %gather3A_534 = tpu.dynamic_gather %add3A_528[%gather3A_533] in [0] : vector<16xf32>, vector<16xi32> -> vector<16xf32>
      %add3A_535 = arith.addf %add3A_528, %gather3A_534 : vector<16xf32>
      %xor3A_536 = arith.constant 1 : i32
      %xor3A_537 = vector.broadcast %xor3A_536 : i32 to vector<16xi32>
      %xor3A_538 = arith.xori %iota3A, %xor3A_537 : vector<16xi32>
      %broadcast_in_dim3A_539 = vector.shape_cast %xor3A_538 : vector<16xi32> to vector<16x1xi32>
      %gather3A_540 = vector.shape_cast %broadcast_in_dim3A_539 : vector<16x1xi32> to vector<16xi32>
      %gather3A_541 = tpu.dynamic_gather %add3A_535[%gather3A_540] in [0] : vector<16xf32>, vector<16xi32> -> vector<16xf32>
      %add3A_542 = arith.addf %add3A_535, %gather3A_541 : vector<16xf32>
      %select_n3A_543 = arith.select %eq3A_487, %add3A_542, %scan3A_58 : vector<16xi1>, vector<16xf32>
      %xor3A_544 = arith.constant 8 : i32
      %xor3A_545 = vector.broadcast %xor3A_544 : i32 to vector<16xi32>
      %xor3A_546 = arith.xori %iota3A, %xor3A_545 : vector<16xi32>
      %broadcast_in_dim3A_547 = vector.shape_cast %xor3A_546 : vector<16xi32> to vector<16x1xi32>
      %gather3A_548 = vector.shape_cast %broadcast_in_dim3A_547 : vector<16x1xi32> to vector<16xi32>
      %gather3A_549 = tpu.dynamic_gather %add3A_483[%gather3A_548] in [0] : vector<16xf32>, vector<16xi32> -> vector<16xf32>
      %add3A_550 = arith.addf %add3A_483, %gather3A_549 : vector<16xf32>
      %xor3A_551 = arith.constant 4 : i32
      %xor3A_552 = vector.broadcast %xor3A_551 : i32 to vector<16xi32>
      %xor3A_553 = arith.xori %iota3A, %xor3A_552 : vector<16xi32>
      %broadcast_in_dim3A_554 = vector.shape_cast %xor3A_553 : vector<16xi32> to vector<16x1xi32>
      %gather3A_555 = vector.shape_cast %broadcast_in_dim3A_554 : vector<16x1xi32> to vector<16xi32>
      %gather3A_556 = tpu.dynamic_gather %add3A_550[%gather3A_555] in [0] : vector<16xf32>, vector<16xi32> -> vector<16xf32>
      %add3A_557 = arith.addf %add3A_550, %gather3A_556 : vector<16xf32>
      %xor3A_558 = arith.constant 2 : i32
      %xor3A_559 = vector.broadcast %xor3A_558 : i32 to vector<16xi32>
      %xor3A_560 = arith.xori %iota3A, %xor3A_559 : vector<16xi32>
      %broadcast_in_dim3A_561 = vector.shape_cast %xor3A_560 : vector<16xi32> to vector<16x1xi32>
      %gather3A_562 = vector.shape_cast %broadcast_in_dim3A_561 : vector<16x1xi32> to vector<16xi32>
      %gather3A_563 = tpu.dynamic_gather %add3A_557[%gather3A_562] in [0] : vector<16xf32>, vector<16xi32> -> vector<16xf32>
      %add3A_564 = arith.addf %add3A_557, %gather3A_563 : vector<16xf32>
      %xor3A_565 = arith.constant 1 : i32
      %xor3A_566 = vector.broadcast %xor3A_565 : i32 to vector<16xi32>
      %xor3A_567 = arith.xori %iota3A, %xor3A_566 : vector<16xi32>
      %broadcast_in_dim3A_568 = vector.shape_cast %xor3A_567 : vector<16xi32> to vector<16x1xi32>
      %gather3A_569 = vector.shape_cast %broadcast_in_dim3A_568 : vector<16x1xi32> to vector<16xi32>
      %gather3A_570 = tpu.dynamic_gather %add3A_564[%gather3A_569] in [0] : vector<16xf32>, vector<16xi32> -> vector<16xf32>
      %add3A_571 = arith.addf %add3A_564, %gather3A_570 : vector<16xf32>
      %select_n3A_572 = arith.select %eq3A_487, %add3A_571, %scan3A_59 : vector<16xi1>, vector<16xf32>
      %xor3A_573 = arith.constant 8 : i32
      %xor3A_574 = vector.broadcast %xor3A_573 : i32 to vector<16xi32>
      %xor3A_575 = arith.xori %iota3A, %xor3A_574 : vector<16xi32>
      %broadcast_in_dim3A_576 = vector.shape_cast %xor3A_575 : vector<16xi32> to vector<16x1xi32>
      %gather3A_577 = vector.shape_cast %broadcast_in_dim3A_576 : vector<16x1xi32> to vector<16xi32>
      %gather3A_578 = tpu.dynamic_gather %add3A_485[%gather3A_577] in [0] : vector<16xf32>, vector<16xi32> -> vector<16xf32>
      %add3A_579 = arith.addf %add3A_485, %gather3A_578 : vector<16xf32>
      %xor3A_580 = arith.constant 4 : i32
      %xor3A_581 = vector.broadcast %xor3A_580 : i32 to vector<16xi32>
      %xor3A_582 = arith.xori %iota3A, %xor3A_581 : vector<16xi32>
      %broadcast_in_dim3A_583 = vector.shape_cast %xor3A_582 : vector<16xi32> to vector<16x1xi32>
      %gather3A_584 = vector.shape_cast %broadcast_in_dim3A_583 : vector<16x1xi32> to vector<16xi32>
      %gather3A_585 = tpu.dynamic_gather %add3A_579[%gather3A_584] in [0] : vector<16xf32>, vector<16xi32> -> vector<16xf32>
      %add3A_586 = arith.addf %add3A_579, %gather3A_585 : vector<16xf32>
      %xor3A_587 = arith.constant 2 : i32
      %xor3A_588 = vector.broadcast %xor3A_587 : i32 to vector<16xi32>
      %xor3A_589 = arith.xori %iota3A, %xor3A_588 : vector<16xi32>
      %broadcast_in_dim3A_590 = vector.shape_cast %xor3A_589 : vector<16xi32> to vector<16x1xi32>
      %gather3A_591 = vector.shape_cast %broadcast_in_dim3A_590 : vector<16x1xi32> to vector<16xi32>
      %gather3A_592 = tpu.dynamic_gather %add3A_586[%gather3A_591] in [0] : vector<16xf32>, vector<16xi32> -> vector<16xf32>
      %add3A_593 = arith.addf %add3A_586, %gather3A_592 : vector<16xf32>
      %xor3A_594 = arith.constant 1 : i32
      %xor3A_595 = vector.broadcast %xor3A_594 : i32 to vector<16xi32>
      %xor3A_596 = arith.xori %iota3A, %xor3A_595 : vector<16xi32>
      %broadcast_in_dim3A_597 = vector.shape_cast %xor3A_596 : vector<16xi32> to vector<16x1xi32>
      %gather3A_598 = vector.shape_cast %broadcast_in_dim3A_597 : vector<16x1xi32> to vector<16xi32>
      %gather3A_599 = tpu.dynamic_gather %add3A_593[%gather3A_598] in [0] : vector<16xf32>, vector<16xi32> -> vector<16xf32>
      %add3A_600 = arith.addf %add3A_593, %gather3A_599 : vector<16xf32>
      %select_n3A_601 = arith.select %eq3A_487, %add3A_600, %scan3A_60 : vector<16xi1>, vector<16xf32>
      scf.yield %select_n3A_514, %select_n3A_543, %select_n3A_572, %select_n3A_601 : vector<16xf32>, vector<16xf32>, vector<16xf32>, vector<16xf32>
    }
    %scan3A_22 = arith.constant 16 : i32
    %get3A = arith.constant 0 : index
    %get3A_23 = tpu.vector_load %arg7[%get3A] {strides = array<i32>} : memref<32xi32, #tpu.memory_space<vmem>>, vector<16xi32>,
    %get3A_24 = vector.shape_cast %get3A_23 : vector<16xi32> to vector<16xi32>
    %get3A_25 = arith.constant 0 : index
    %get3A_26 = tpu.vector_load %arg8[%get3A_25] {strides = array<i32>} : memref<32xi32, #tpu.memory_space<vmem>>, vector<16xi32>,
    %get3A_27 = vector.shape_cast %get3A_26 : vector<16xi32> to vector<16xi32>
    %lt3A = arith.cmpf olt, %scan3A_21#1, %scan3A_21#0 : vector<16xf32>
    %eq3A = arith.cmpf oeq, %scan3A_21#1, %scan3A_21#0 : vector<16xf32>
    %lt3A_28 = arith.cmpi slt, %get3A_27, %get3A_24 : vector<16xi32>
    %and3A = arith.andi %eq3A, %lt3A_28 : vector<16xi1>
    %or3A = arith.ori %lt3A, %and3A : vector<16xi1>
    %select_n3A = arith.select %or3A, %scan3A_21#3, %scan3A_21#2 : vector<16xi1>, vector<16xf32>
    %swap3A = arith.constant 0 : index
    %swap3A_29 = tpu.vector_load %arg12[%swap3A] {strides = array<i32>} : memref<32xf32, #tpu.memory_space<vmem>>, vector<16xf32>,
    %swap3A_30 = vector.shape_cast %swap3A_29 : vector<16xf32> to vector<16xf32>
    %swap3A_31 = vector.shape_cast %select_n3A : vector<16xf32> to vector<16xf32>
    tpu.vector_store %arg12[%swap3A], %swap3A_31 {strides = array<i32>} : memref<32xf32, #tpu.memory_space<vmem>>, vector<16xf32>,
    %broadcast_in_dim3A_32 = arith.constant 0.000000e+00 : f32
    %broadcast_in_dim3A_33 = vector.broadcast %broadcast_in_dim3A_32 : f32 to vector<16xf32>
    %scan3A_34 = arith.constant 0 : i32
    %scan3A_35 = arith.constant 16 : i32
    %scan3A_36 = arith.addi %scan3A_34, %scan3A_35 : i32
    %scan3A_37 = arith.constant 1 : i32
    %scan3A_38:4 = scf.for %scan3A_56 = %scan3A_34 to %scan3A_36 step %scan3A_37 iter_args(%scan3A_57 = %broadcast_in_dim3A_33, %scan3A_58 = %broadcast_in_dim3A_33, %scan3A_59 = %broadcast_in_dim3A_33, %scan3A_60 = %broadcast_in_dim3A_33) -> (vector<16xf32>, vector<16xf32>, vector<16xf32>, vector<16xf32>)  : i32 {
      %add3A_61 = arith.constant 16 : i32
      %add3A_62 = arith.addi %add3A_61, %scan3A_56 : i32
      %broadcast_in_dim3A_63 = arith.constant 0.000000e+00 : f32
      %broadcast_in_dim3A_64 = vector.broadcast %broadcast_in_dim3A_63 : f32 to vector<16xf32>
      %broadcast_in_dim3A_65 = arith.constant 0.000000e+00 : f32
      %broadcast_in_dim3A_66 = vector.broadcast %broadcast_in_dim3A_65 : f32 to vector<16xf32>
      %broadcast_in_dim3A_67 = arith.constant 0.000000e+00 : f32
      %broadcast_in_dim3A_68 = vector.broadcast %broadcast_in_dim3A_67 : f32 to vector<16xf32>
      %broadcast_in_dim3A_69 = arith.constant 0.000000e+00 : f32
      %broadcast_in_dim3A_70 = vector.broadcast %broadcast_in_dim3A_69 : f32 to vector<16xf32>
      %get3A_71 = arith.index_cast %add3A_62 : i32 to index
      %get3A_72 = arith.constant 0 : index
      %get3A_73 = tpu.vector_load %arg9[%get3A_71, %get3A_72] {strides = array<i32>} : memref<32x256xf32, #tpu.memory_space<vmem>>, vector<1x16xf32>,
      %get3A_74 = vector.shape_cast %get3A_73 : vector<1x16xf32> to vector<16xf32>
      %get3A_75 = arith.constant 0 : i32
      %get3A_76 = arith.index_cast %add3A_62 : i32 to index
      %get3A_77 = arith.index_cast %get3A_75 : i32 to index
      %get3A_78 = arith.constant 0 : index
      %get3A_79 = tpu.vector_load %arg10[%get3A_76, %get3A_77, %get3A_78] {strides = array<i32>} : memref<32x2x128xf32, #tpu.memory_space<vmem>>, vector<1x1x16xf32>,
      %get3A_80 = vector.shape_cast %get3A_79 : vector<1x1x16xf32> to vector<16xf32>
      %sub3A = arith.subf %get3A_74, %get3A_80 : vector<16xf32>
      %get3A_81 = arith.constant 0 : i32
      %get3A_82 = arith.index_cast %add3A_62 : i32 to index
      %get3A_83 = arith.index_cast %get3A_81 : i32 to index
      %get3A_84 = arith.constant 0 : index
      %get3A_85 = tpu.vector_load %arg11[%get3A_82, %get3A_83, %get3A_84] {strides = array<i32>} : memref<32x2x128xf32, #tpu.memory_space<vmem>>, vector<1x1x16xf32>,
      %get3A_86 = vector.shape_cast %get3A_85 : vector<1x1x16xf32> to vector<16xf32>
      %sub3A_87 = arith.subf %get3A_74, %get3A_86 : vector<16xf32>
      %mul3A_88 = arith.mulf %sub3A, %sub3A : vector<16xf32>
      %mul3A_89 = arith.mulf %sub3A_87, %sub3A_87 : vector<16xf32>
      %add3A_90 = arith.addf %broadcast_in_dim3A_64, %mul3A_88 : vector<16xf32>
      %add3A_91 = arith.addf %broadcast_in_dim3A_66, %mul3A_89 : vector<16xf32>
      %mul3A_92 = arith.mulf %mul3A_88, %mul3A_88 : vector<16xf32>
      %add3A_93 = arith.addf %broadcast_in_dim3A_68, %mul3A_92 : vector<16xf32>
      %mul3A_94 = arith.mulf %mul3A_89, %mul3A_89 : vector<16xf32>
      %add3A_95 = arith.addf %broadcast_in_dim3A_70, %mul3A_94 : vector<16xf32>
      %get3A_96 = arith.index_cast %add3A_62 : i32 to index
      %get3A_97 = arith.constant 16 : index
      %get3A_98 = tpu.vector_load %arg9[%get3A_96, %get3A_97] {strides = array<i32>} : memref<32x256xf32, #tpu.memory_space<vmem>>, vector<1x16xf32>,
      %get3A_99 = vector.shape_cast %get3A_98 : vector<1x16xf32> to vector<16xf32>
      %get3A_100 = arith.constant 0 : i32
      %get3A_101 = arith.index_cast %add3A_62 : i32 to index
      %get3A_102 = arith.index_cast %get3A_100 : i32 to index
      %get3A_103 = arith.constant 16 : index
      %get3A_104 = tpu.vector_load %arg10[%get3A_101, %get3A_102, %get3A_103] {strides = array<i32>} : memref<32x2x128xf32, #tpu.memory_space<vmem>>, vector<1x1x16xf32>,
      %get3A_105 = vector.shape_cast %get3A_104 : vector<1x1x16xf32> to vector<16xf32>
      %sub3A_106 = arith.subf %get3A_99, %get3A_105 : vector<16xf32>
      %get3A_107 = arith.constant 0 : i32
      %get3A_108 = arith.index_cast %add3A_62 : i32 to index
      %get3A_109 = arith.index_cast %get3A_107 : i32 to index
      %get3A_110 = arith.constant 16 : index
      %get3A_111 = tpu.vector_load %arg11[%get3A_108, %get3A_109, %get3A_110] {strides = array<i32>} : memref<32x2x128xf32, #tpu.memory_space<vmem>>, vector<1x1x16xf32>,
      %get3A_112 = vector.shape_cast %get3A_111 : vector<1x1x16xf32> to vector<16xf32>
      %sub3A_113 = arith.subf %get3A_99, %get3A_112 : vector<16xf32>
      %mul3A_114 = arith.mulf %sub3A_106, %sub3A_106 : vector<16xf32>
      %mul3A_115 = arith.mulf %sub3A_113, %sub3A_113 : vector<16xf32>
      %add3A_116 = arith.addf %add3A_90, %mul3A_114 : vector<16xf32>
      %add3A_117 = arith.addf %add3A_91, %mul3A_115 : vector<16xf32>
      %mul3A_118 = arith.mulf %mul3A_114, %mul3A_114 : vector<16xf32>
      %add3A_119 = arith.addf %add3A_93, %mul3A_118 : vector<16xf32>
      %mul3A_120 = arith.mulf %mul3A_115, %mul3A_115 : vector<16xf32>
      %add3A_121 = arith.addf %add3A_95, %mul3A_120 : vector<16xf32>
      %get3A_122 = arith.index_cast %add3A_62 : i32 to index
      %get3A_123 = arith.constant 32 : index
      %get3A_124 = tpu.vector_load %arg9[%get3A_122, %get3A_123] {strides = array<i32>} : memref<32x256xf32, #tpu.memory_space<vmem>>, vector<1x16xf32>,
      %get3A_125 = vector.shape_cast %get3A_124 : vector<1x16xf32> to vector<16xf32>
      %get3A_126 = arith.constant 0 : i32
      %get3A_127 = arith.index_cast %add3A_62 : i32 to index
      %get3A_128 = arith.index_cast %get3A_126 : i32 to index
      %get3A_129 = arith.constant 32 : index
      %get3A_130 = tpu.vector_load %arg10[%get3A_127, %get3A_128, %get3A_129] {strides = array<i32>} : memref<32x2x128xf32, #tpu.memory_space<vmem>>, vector<1x1x16xf32>,
      %get3A_131 = vector.shape_cast %get3A_130 : vector<1x1x16xf32> to vector<16xf32>
      %sub3A_132 = arith.subf %get3A_125, %get3A_131 : vector<16xf32>
      %get3A_133 = arith.constant 0 : i32
      %get3A_134 = arith.index_cast %add3A_62 : i32 to index
      %get3A_135 = arith.index_cast %get3A_133 : i32 to index
      %get3A_136 = arith.constant 32 : index
      %get3A_137 = tpu.vector_load %arg11[%get3A_134, %get3A_135, %get3A_136] {strides = array<i32>} : memref<32x2x128xf32, #tpu.memory_space<vmem>>, vector<1x1x16xf32>,
      %get3A_138 = vector.shape_cast %get3A_137 : vector<1x1x16xf32> to vector<16xf32>
      %sub3A_139 = arith.subf %get3A_125, %get3A_138 : vector<16xf32>
      %mul3A_140 = arith.mulf %sub3A_132, %sub3A_132 : vector<16xf32>
      %mul3A_141 = arith.mulf %sub3A_139, %sub3A_139 : vector<16xf32>
      %add3A_142 = arith.addf %add3A_116, %mul3A_140 : vector<16xf32>
      %add3A_143 = arith.addf %add3A_117, %mul3A_141 : vector<16xf32>
      %mul3A_144 = arith.mulf %mul3A_140, %mul3A_140 : vector<16xf32>
      %add3A_145 = arith.addf %add3A_119, %mul3A_144 : vector<16xf32>
      %mul3A_146 = arith.mulf %mul3A_141, %mul3A_141 : vector<16xf32>
      %add3A_147 = arith.addf %add3A_121, %mul3A_146 : vector<16xf32>
      %get3A_148 = arith.index_cast %add3A_62 : i32 to index
      %get3A_149 = arith.constant 48 : index
      %get3A_150 = tpu.vector_load %arg9[%get3A_148, %get3A_149] {strides = array<i32>} : memref<32x256xf32, #tpu.memory_space<vmem>>, vector<1x16xf32>,
      %get3A_151 = vector.shape_cast %get3A_150 : vector<1x16xf32> to vector<16xf32>
      %get3A_152 = arith.constant 0 : i32
      %get3A_153 = arith.index_cast %add3A_62 : i32 to index
      %get3A_154 = arith.index_cast %get3A_152 : i32 to index
      %get3A_155 = arith.constant 48 : index
      %get3A_156 = tpu.vector_load %arg10[%get3A_153, %get3A_154, %get3A_155] {strides = array<i32>} : memref<32x2x128xf32, #tpu.memory_space<vmem>>, vector<1x1x16xf32>,
      %get3A_157 = vector.shape_cast %get3A_156 : vector<1x1x16xf32> to vector<16xf32>
      %sub3A_158 = arith.subf %get3A_151, %get3A_157 : vector<16xf32>
      %get3A_159 = arith.constant 0 : i32
      %get3A_160 = arith.index_cast %add3A_62 : i32 to index
      %get3A_161 = arith.index_cast %get3A_159 : i32 to index
      %get3A_162 = arith.constant 48 : index
      %get3A_163 = tpu.vector_load %arg11[%get3A_160, %get3A_161, %get3A_162] {strides = array<i32>} : memref<32x2x128xf32, #tpu.memory_space<vmem>>, vector<1x1x16xf32>,
      %get3A_164 = vector.shape_cast %get3A_163 : vector<1x1x16xf32> to vector<16xf32>
      %sub3A_165 = arith.subf %get3A_151, %get3A_164 : vector<16xf32>
      %mul3A_166 = arith.mulf %sub3A_158, %sub3A_158 : vector<16xf32>
      %mul3A_167 = arith.mulf %sub3A_165, %sub3A_165 : vector<16xf32>
      %add3A_168 = arith.addf %add3A_142, %mul3A_166 : vector<16xf32>
      %add3A_169 = arith.addf %add3A_143, %mul3A_167 : vector<16xf32>
      %mul3A_170 = arith.mulf %mul3A_166, %mul3A_166 : vector<16xf32>
      %add3A_171 = arith.addf %add3A_145, %mul3A_170 : vector<16xf32>
      %mul3A_172 = arith.mulf %mul3A_167, %mul3A_167 : vector<16xf32>
      %add3A_173 = arith.addf %add3A_147, %mul3A_172 : vector<16xf32>
      %get3A_174 = arith.index_cast %add3A_62 : i32 to index
      %get3A_175 = arith.constant 64 : index
      %get3A_176 = tpu.vector_load %arg9[%get3A_174, %get3A_175] {strides = array<i32>} : memref<32x256xf32, #tpu.memory_space<vmem>>, vector<1x16xf32>,
      %get3A_177 = vector.shape_cast %get3A_176 : vector<1x16xf32> to vector<16xf32>
      %get3A_178 = arith.constant 0 : i32
      %get3A_179 = arith.index_cast %add3A_62 : i32 to index
      %get3A_180 = arith.index_cast %get3A_178 : i32 to index
      %get3A_181 = arith.constant 64 : index
      %get3A_182 = tpu.vector_load %arg10[%get3A_179, %get3A_180, %get3A_181] {strides = array<i32>} : memref<32x2x128xf32, #tpu.memory_space<vmem>>, vector<1x1x16xf32>,
      %get3A_183 = vector.shape_cast %get3A_182 : vector<1x1x16xf32> to vector<16xf32>
      %sub3A_184 = arith.subf %get3A_177, %get3A_183 : vector<16xf32>
      %get3A_185 = arith.constant 0 : i32
      %get3A_186 = arith.index_cast %add3A_62 : i32 to index
      %get3A_187 = arith.index_cast %get3A_185 : i32 to index
      %get3A_188 = arith.constant 64 : index
      %get3A_189 = tpu.vector_load %arg11[%get3A_186, %get3A_187, %get3A_188] {strides = array<i32>} : memref<32x2x128xf32, #tpu.memory_space<vmem>>, vector<1x1x16xf32>,
      %get3A_190 = vector.shape_cast %get3A_189 : vector<1x1x16xf32> to vector<16xf32>
      %sub3A_191 = arith.subf %get3A_177, %get3A_190 : vector<16xf32>
      %mul3A_192 = arith.mulf %sub3A_184, %sub3A_184 : vector<16xf32>
      %mul3A_193 = arith.mulf %sub3A_191, %sub3A_191 : vector<16xf32>
      %add3A_194 = arith.addf %add3A_168, %mul3A_192 : vector<16xf32>
      %add3A_195 = arith.addf %add3A_169, %mul3A_193 : vector<16xf32>
      %mul3A_196 = arith.mulf %mul3A_192, %mul3A_192 : vector<16xf32>
      %add3A_197 = arith.addf %add3A_171, %mul3A_196 : vector<16xf32>
      %mul3A_198 = arith.mulf %mul3A_193, %mul3A_193 : vector<16xf32>
      %add3A_199 = arith.addf %add3A_173, %mul3A_198 : vector<16xf32>
      %get3A_200 = arith.index_cast %add3A_62 : i32 to index
      %get3A_201 = arith.constant 80 : index
      %get3A_202 = tpu.vector_load %arg9[%get3A_200, %get3A_201] {strides = array<i32>} : memref<32x256xf32, #tpu.memory_space<vmem>>, vector<1x16xf32>,
      %get3A_203 = vector.shape_cast %get3A_202 : vector<1x16xf32> to vector<16xf32>
      %get3A_204 = arith.constant 0 : i32
      %get3A_205 = arith.index_cast %add3A_62 : i32 to index
      %get3A_206 = arith.index_cast %get3A_204 : i32 to index
      %get3A_207 = arith.constant 80 : index
      %get3A_208 = tpu.vector_load %arg10[%get3A_205, %get3A_206, %get3A_207] {strides = array<i32>} : memref<32x2x128xf32, #tpu.memory_space<vmem>>, vector<1x1x16xf32>,
      %get3A_209 = vector.shape_cast %get3A_208 : vector<1x1x16xf32> to vector<16xf32>
      %sub3A_210 = arith.subf %get3A_203, %get3A_209 : vector<16xf32>
      %get3A_211 = arith.constant 0 : i32
      %get3A_212 = arith.index_cast %add3A_62 : i32 to index
      %get3A_213 = arith.index_cast %get3A_211 : i32 to index
      %get3A_214 = arith.constant 80 : index
      %get3A_215 = tpu.vector_load %arg11[%get3A_212, %get3A_213, %get3A_214] {strides = array<i32>} : memref<32x2x128xf32, #tpu.memory_space<vmem>>, vector<1x1x16xf32>,
      %get3A_216 = vector.shape_cast %get3A_215 : vector<1x1x16xf32> to vector<16xf32>
      %sub3A_217 = arith.subf %get3A_203, %get3A_216 : vector<16xf32>
      %mul3A_218 = arith.mulf %sub3A_210, %sub3A_210 : vector<16xf32>
      %mul3A_219 = arith.mulf %sub3A_217, %sub3A_217 : vector<16xf32>
      %add3A_220 = arith.addf %add3A_194, %mul3A_218 : vector<16xf32>
      %add3A_221 = arith.addf %add3A_195, %mul3A_219 : vector<16xf32>
      %mul3A_222 = arith.mulf %mul3A_218, %mul3A_218 : vector<16xf32>
      %add3A_223 = arith.addf %add3A_197, %mul3A_222 : vector<16xf32>
      %mul3A_224 = arith.mulf %mul3A_219, %mul3A_219 : vector<16xf32>
      %add3A_225 = arith.addf %add3A_199, %mul3A_224 : vector<16xf32>
      %get3A_226 = arith.index_cast %add3A_62 : i32 to index
      %get3A_227 = arith.constant 96 : index
      %get3A_228 = tpu.vector_load %arg9[%get3A_226, %get3A_227] {strides = array<i32>} : memref<32x256xf32, #tpu.memory_space<vmem>>, vector<1x16xf32>,
      %get3A_229 = vector.shape_cast %get3A_228 : vector<1x16xf32> to vector<16xf32>
      %get3A_230 = arith.constant 0 : i32
      %get3A_231 = arith.index_cast %add3A_62 : i32 to index
      %get3A_232 = arith.index_cast %get3A_230 : i32 to index
      %get3A_233 = arith.constant 96 : index
      %get3A_234 = tpu.vector_load %arg10[%get3A_231, %get3A_232, %get3A_233] {strides = array<i32>} : memref<32x2x128xf32, #tpu.memory_space<vmem>>, vector<1x1x16xf32>,
      %get3A_235 = vector.shape_cast %get3A_234 : vector<1x1x16xf32> to vector<16xf32>
      %sub3A_236 = arith.subf %get3A_229, %get3A_235 : vector<16xf32>
      %get3A_237 = arith.constant 0 : i32
      %get3A_238 = arith.index_cast %add3A_62 : i32 to index
      %get3A_239 = arith.index_cast %get3A_237 : i32 to index
      %get3A_240 = arith.constant 96 : index
      %get3A_241 = tpu.vector_load %arg11[%get3A_238, %get3A_239, %get3A_240] {strides = array<i32>} : memref<32x2x128xf32, #tpu.memory_space<vmem>>, vector<1x1x16xf32>,
      %get3A_242 = vector.shape_cast %get3A_241 : vector<1x1x16xf32> to vector<16xf32>
      %sub3A_243 = arith.subf %get3A_229, %get3A_242 : vector<16xf32>
      %mul3A_244 = arith.mulf %sub3A_236, %sub3A_236 : vector<16xf32>
      %mul3A_245 = arith.mulf %sub3A_243, %sub3A_243 : vector<16xf32>
      %add3A_246 = arith.addf %add3A_220, %mul3A_244 : vector<16xf32>
      %add3A_247 = arith.addf %add3A_221, %mul3A_245 : vector<16xf32>
      %mul3A_248 = arith.mulf %mul3A_244, %mul3A_244 : vector<16xf32>
      %add3A_249 = arith.addf %add3A_223, %mul3A_248 : vector<16xf32>
      %mul3A_250 = arith.mulf %mul3A_245, %mul3A_245 : vector<16xf32>
      %add3A_251 = arith.addf %add3A_225, %mul3A_250 : vector<16xf32>
      %get3A_252 = arith.index_cast %add3A_62 : i32 to index
      %get3A_253 = arith.constant 112 : index
      %get3A_254 = tpu.vector_load %arg9[%get3A_252, %get3A_253] {strides = array<i32>} : memref<32x256xf32, #tpu.memory_space<vmem>>, vector<1x16xf32>,
      %get3A_255 = vector.shape_cast %get3A_254 : vector<1x16xf32> to vector<16xf32>
      %get3A_256 = arith.constant 0 : i32
      %get3A_257 = arith.index_cast %add3A_62 : i32 to index
      %get3A_258 = arith.index_cast %get3A_256 : i32 to index
      %get3A_259 = arith.constant 112 : index
      %get3A_260 = tpu.vector_load %arg10[%get3A_257, %get3A_258, %get3A_259] {strides = array<i32>} : memref<32x2x128xf32, #tpu.memory_space<vmem>>, vector<1x1x16xf32>,
      %get3A_261 = vector.shape_cast %get3A_260 : vector<1x1x16xf32> to vector<16xf32>
      %sub3A_262 = arith.subf %get3A_255, %get3A_261 : vector<16xf32>
      %get3A_263 = arith.constant 0 : i32
      %get3A_264 = arith.index_cast %add3A_62 : i32 to index
      %get3A_265 = arith.index_cast %get3A_263 : i32 to index
      %get3A_266 = arith.constant 112 : index
      %get3A_267 = tpu.vector_load %arg11[%get3A_264, %get3A_265, %get3A_266] {strides = array<i32>} : memref<32x2x128xf32, #tpu.memory_space<vmem>>, vector<1x1x16xf32>,
      %get3A_268 = vector.shape_cast %get3A_267 : vector<1x1x16xf32> to vector<16xf32>
      %sub3A_269 = arith.subf %get3A_255, %get3A_268 : vector<16xf32>
      %mul3A_270 = arith.mulf %sub3A_262, %sub3A_262 : vector<16xf32>
      %mul3A_271 = arith.mulf %sub3A_269, %sub3A_269 : vector<16xf32>
      %add3A_272 = arith.addf %add3A_246, %mul3A_270 : vector<16xf32>
      %add3A_273 = arith.addf %add3A_247, %mul3A_271 : vector<16xf32>
      %mul3A_274 = arith.mulf %mul3A_270, %mul3A_270 : vector<16xf32>
      %add3A_275 = arith.addf %add3A_249, %mul3A_274 : vector<16xf32>
      %mul3A_276 = arith.mulf %mul3A_271, %mul3A_271 : vector<16xf32>
      %add3A_277 = arith.addf %add3A_251, %mul3A_276 : vector<16xf32>
      %get3A_278 = arith.index_cast %add3A_62 : i32 to index
      %get3A_279 = arith.constant 128 : index
      %get3A_280 = tpu.vector_load %arg9[%get3A_278, %get3A_279] {strides = array<i32>} : memref<32x256xf32, #tpu.memory_space<vmem>>, vector<1x16xf32>,
      %get3A_281 = vector.shape_cast %get3A_280 : vector<1x16xf32> to vector<16xf32>
      %get3A_282 = arith.constant 1 : i32
      %get3A_283 = arith.index_cast %add3A_62 : i32 to index
      %get3A_284 = arith.index_cast %get3A_282 : i32 to index
      %get3A_285 = arith.constant 0 : index
      %get3A_286 = tpu.vector_load %arg10[%get3A_283, %get3A_284, %get3A_285] {strides = array<i32>} : memref<32x2x128xf32, #tpu.memory_space<vmem>>, vector<1x1x16xf32>,
      %get3A_287 = vector.shape_cast %get3A_286 : vector<1x1x16xf32> to vector<16xf32>
      %sub3A_288 = arith.subf %get3A_281, %get3A_287 : vector<16xf32>
      %get3A_289 = arith.constant 1 : i32
      %get3A_290 = arith.index_cast %add3A_62 : i32 to index
      %get3A_291 = arith.index_cast %get3A_289 : i32 to index
      %get3A_292 = arith.constant 0 : index
      %get3A_293 = tpu.vector_load %arg11[%get3A_290, %get3A_291, %get3A_292] {strides = array<i32>} : memref<32x2x128xf32, #tpu.memory_space<vmem>>, vector<1x1x16xf32>,
      %get3A_294 = vector.shape_cast %get3A_293 : vector<1x1x16xf32> to vector<16xf32>
      %sub3A_295 = arith.subf %get3A_281, %get3A_294 : vector<16xf32>
      %mul3A_296 = arith.mulf %sub3A_288, %sub3A_288 : vector<16xf32>
      %mul3A_297 = arith.mulf %sub3A_295, %sub3A_295 : vector<16xf32>
      %add3A_298 = arith.addf %add3A_272, %mul3A_296 : vector<16xf32>
      %add3A_299 = arith.addf %add3A_273, %mul3A_297 : vector<16xf32>
      %mul3A_300 = arith.mulf %mul3A_296, %mul3A_296 : vector<16xf32>
      %add3A_301 = arith.addf %add3A_275, %mul3A_300 : vector<16xf32>
      %mul3A_302 = arith.mulf %mul3A_297, %mul3A_297 : vector<16xf32>
      %add3A_303 = arith.addf %add3A_277, %mul3A_302 : vector<16xf32>
      %get3A_304 = arith.index_cast %add3A_62 : i32 to index
      %get3A_305 = arith.constant 144 : index
      %get3A_306 = tpu.vector_load %arg9[%get3A_304, %get3A_305] {strides = array<i32>} : memref<32x256xf32, #tpu.memory_space<vmem>>, vector<1x16xf32>,
      %get3A_307 = vector.shape_cast %get3A_306 : vector<1x16xf32> to vector<16xf32>
      %get3A_308 = arith.constant 1 : i32
      %get3A_309 = arith.index_cast %add3A_62 : i32 to index
      %get3A_310 = arith.index_cast %get3A_308 : i32 to index
      %get3A_311 = arith.constant 16 : index
      %get3A_312 = tpu.vector_load %arg10[%get3A_309, %get3A_310, %get3A_311] {strides = array<i32>} : memref<32x2x128xf32, #tpu.memory_space<vmem>>, vector<1x1x16xf32>,
      %get3A_313 = vector.shape_cast %get3A_312 : vector<1x1x16xf32> to vector<16xf32>
      %sub3A_314 = arith.subf %get3A_307, %get3A_313 : vector<16xf32>
      %get3A_315 = arith.constant 1 : i32
      %get3A_316 = arith.index_cast %add3A_62 : i32 to index
      %get3A_317 = arith.index_cast %get3A_315 : i32 to index
      %get3A_318 = arith.constant 16 : index
      %get3A_319 = tpu.vector_load %arg11[%get3A_316, %get3A_317, %get3A_318] {strides = array<i32>} : memref<32x2x128xf32, #tpu.memory_space<vmem>>, vector<1x1x16xf32>,
      %get3A_320 = vector.shape_cast %get3A_319 : vector<1x1x16xf32> to vector<16xf32>
      %sub3A_321 = arith.subf %get3A_307, %get3A_320 : vector<16xf32>
      %mul3A_322 = arith.mulf %sub3A_314, %sub3A_314 : vector<16xf32>
      %mul3A_323 = arith.mulf %sub3A_321, %sub3A_321 : vector<16xf32>
      %add3A_324 = arith.addf %add3A_298, %mul3A_322 : vector<16xf32>
      %add3A_325 = arith.addf %add3A_299, %mul3A_323 : vector<16xf32>
      %mul3A_326 = arith.mulf %mul3A_322, %mul3A_322 : vector<16xf32>
      %add3A_327 = arith.addf %add3A_301, %mul3A_326 : vector<16xf32>
      %mul3A_328 = arith.mulf %mul3A_323, %mul3A_323 : vector<16xf32>
      %add3A_329 = arith.addf %add3A_303, %mul3A_328 : vector<16xf32>
      %get3A_330 = arith.index_cast %add3A_62 : i32 to index
      %get3A_331 = arith.constant 160 : index
      %get3A_332 = tpu.vector_load %arg9[%get3A_330, %get3A_331] {strides = array<i32>} : memref<32x256xf32, #tpu.memory_space<vmem>>, vector<1x16xf32>,
      %get3A_333 = vector.shape_cast %get3A_332 : vector<1x16xf32> to vector<16xf32>
      %get3A_334 = arith.constant 1 : i32
      %get3A_335 = arith.index_cast %add3A_62 : i32 to index
      %get3A_336 = arith.index_cast %get3A_334 : i32 to index
      %get3A_337 = arith.constant 32 : index
      %get3A_338 = tpu.vector_load %arg10[%get3A_335, %get3A_336, %get3A_337] {strides = array<i32>} : memref<32x2x128xf32, #tpu.memory_space<vmem>>, vector<1x1x16xf32>,
      %get3A_339 = vector.shape_cast %get3A_338 : vector<1x1x16xf32> to vector<16xf32>
      %sub3A_340 = arith.subf %get3A_333, %get3A_339 : vector<16xf32>
      %get3A_341 = arith.constant 1 : i32
      %get3A_342 = arith.index_cast %add3A_62 : i32 to index
      %get3A_343 = arith.index_cast %get3A_341 : i32 to index
      %get3A_344 = arith.constant 32 : index
      %get3A_345 = tpu.vector_load %arg11[%get3A_342, %get3A_343, %get3A_344] {strides = array<i32>} : memref<32x2x128xf32, #tpu.memory_space<vmem>>, vector<1x1x16xf32>,
      %get3A_346 = vector.shape_cast %get3A_345 : vector<1x1x16xf32> to vector<16xf32>
      %sub3A_347 = arith.subf %get3A_333, %get3A_346 : vector<16xf32>
      %mul3A_348 = arith.mulf %sub3A_340, %sub3A_340 : vector<16xf32>
      %mul3A_349 = arith.mulf %sub3A_347, %sub3A_347 : vector<16xf32>
      %add3A_350 = arith.addf %add3A_324, %mul3A_348 : vector<16xf32>
      %add3A_351 = arith.addf %add3A_325, %mul3A_349 : vector<16xf32>
      %mul3A_352 = arith.mulf %mul3A_348, %mul3A_348 : vector<16xf32>
      %add3A_353 = arith.addf %add3A_327, %mul3A_352 : vector<16xf32>
      %mul3A_354 = arith.mulf %mul3A_349, %mul3A_349 : vector<16xf32>
      %add3A_355 = arith.addf %add3A_329, %mul3A_354 : vector<16xf32>
      %get3A_356 = arith.index_cast %add3A_62 : i32 to index
      %get3A_357 = arith.constant 176 : index
      %get3A_358 = tpu.vector_load %arg9[%get3A_356, %get3A_357] {strides = array<i32>} : memref<32x256xf32, #tpu.memory_space<vmem>>, vector<1x16xf32>,
      %get3A_359 = vector.shape_cast %get3A_358 : vector<1x16xf32> to vector<16xf32>
      %get3A_360 = arith.constant 1 : i32
      %get3A_361 = arith.index_cast %add3A_62 : i32 to index
      %get3A_362 = arith.index_cast %get3A_360 : i32 to index
      %get3A_363 = arith.constant 48 : index
      %get3A_364 = tpu.vector_load %arg10[%get3A_361, %get3A_362, %get3A_363] {strides = array<i32>} : memref<32x2x128xf32, #tpu.memory_space<vmem>>, vector<1x1x16xf32>,
      %get3A_365 = vector.shape_cast %get3A_364 : vector<1x1x16xf32> to vector<16xf32>
      %sub3A_366 = arith.subf %get3A_359, %get3A_365 : vector<16xf32>
      %get3A_367 = arith.constant 1 : i32
      %get3A_368 = arith.index_cast %add3A_62 : i32 to index
      %get3A_369 = arith.index_cast %get3A_367 : i32 to index
      %get3A_370 = arith.constant 48 : index
      %get3A_371 = tpu.vector_load %arg11[%get3A_368, %get3A_369, %get3A_370] {strides = array<i32>} : memref<32x2x128xf32, #tpu.memory_space<vmem>>, vector<1x1x16xf32>,
      %get3A_372 = vector.shape_cast %get3A_371 : vector<1x1x16xf32> to vector<16xf32>
      %sub3A_373 = arith.subf %get3A_359, %get3A_372 : vector<16xf32>
      %mul3A_374 = arith.mulf %sub3A_366, %sub3A_366 : vector<16xf32>
      %mul3A_375 = arith.mulf %sub3A_373, %sub3A_373 : vector<16xf32>
      %add3A_376 = arith.addf %add3A_350, %mul3A_374 : vector<16xf32>
      %add3A_377 = arith.addf %add3A_351, %mul3A_375 : vector<16xf32>
      %mul3A_378 = arith.mulf %mul3A_374, %mul3A_374 : vector<16xf32>
      %add3A_379 = arith.addf %add3A_353, %mul3A_378 : vector<16xf32>
      %mul3A_380 = arith.mulf %mul3A_375, %mul3A_375 : vector<16xf32>
      %add3A_381 = arith.addf %add3A_355, %mul3A_380 : vector<16xf32>
      %get3A_382 = arith.index_cast %add3A_62 : i32 to index
      %get3A_383 = arith.constant 192 : index
      %get3A_384 = tpu.vector_load %arg9[%get3A_382, %get3A_383] {strides = array<i32>} : memref<32x256xf32, #tpu.memory_space<vmem>>, vector<1x16xf32>,
      %get3A_385 = vector.shape_cast %get3A_384 : vector<1x16xf32> to vector<16xf32>
      %get3A_386 = arith.constant 1 : i32
      %get3A_387 = arith.index_cast %add3A_62 : i32 to index
      %get3A_388 = arith.index_cast %get3A_386 : i32 to index
      %get3A_389 = arith.constant 64 : index
      %get3A_390 = tpu.vector_load %arg10[%get3A_387, %get3A_388, %get3A_389] {strides = array<i32>} : memref<32x2x128xf32, #tpu.memory_space<vmem>>, vector<1x1x16xf32>,
      %get3A_391 = vector.shape_cast %get3A_390 : vector<1x1x16xf32> to vector<16xf32>
      %sub3A_392 = arith.subf %get3A_385, %get3A_391 : vector<16xf32>
      %get3A_393 = arith.constant 1 : i32
      %get3A_394 = arith.index_cast %add3A_62 : i32 to index
      %get3A_395 = arith.index_cast %get3A_393 : i32 to index
      %get3A_396 = arith.constant 64 : index
      %get3A_397 = tpu.vector_load %arg11[%get3A_394, %get3A_395, %get3A_396] {strides = array<i32>} : memref<32x2x128xf32, #tpu.memory_space<vmem>>, vector<1x1x16xf32>,
      %get3A_398 = vector.shape_cast %get3A_397 : vector<1x1x16xf32> to vector<16xf32>
      %sub3A_399 = arith.subf %get3A_385, %get3A_398 : vector<16xf32>
      %mul3A_400 = arith.mulf %sub3A_392, %sub3A_392 : vector<16xf32>
      %mul3A_401 = arith.mulf %sub3A_399, %sub3A_399 : vector<16xf32>
      %add3A_402 = arith.addf %add3A_376, %mul3A_400 : vector<16xf32>
      %add3A_403 = arith.addf %add3A_377, %mul3A_401 : vector<16xf32>
      %mul3A_404 = arith.mulf %mul3A_400, %mul3A_400 : vector<16xf32>
      %add3A_405 = arith.addf %add3A_379, %mul3A_404 : vector<16xf32>
      %mul3A_406 = arith.mulf %mul3A_401, %mul3A_401 : vector<16xf32>
      %add3A_407 = arith.addf %add3A_381, %mul3A_406 : vector<16xf32>
      %get3A_408 = arith.index_cast %add3A_62 : i32 to index
      %get3A_409 = arith.constant 208 : index
      %get3A_410 = tpu.vector_load %arg9[%get3A_408, %get3A_409] {strides = array<i32>} : memref<32x256xf32, #tpu.memory_space<vmem>>, vector<1x16xf32>,
      %get3A_411 = vector.shape_cast %get3A_410 : vector<1x16xf32> to vector<16xf32>
      %get3A_412 = arith.constant 1 : i32
      %get3A_413 = arith.index_cast %add3A_62 : i32 to index
      %get3A_414 = arith.index_cast %get3A_412 : i32 to index
      %get3A_415 = arith.constant 80 : index
      %get3A_416 = tpu.vector_load %arg10[%get3A_413, %get3A_414, %get3A_415] {strides = array<i32>} : memref<32x2x128xf32, #tpu.memory_space<vmem>>, vector<1x1x16xf32>,
      %get3A_417 = vector.shape_cast %get3A_416 : vector<1x1x16xf32> to vector<16xf32>
      %sub3A_418 = arith.subf %get3A_411, %get3A_417 : vector<16xf32>
      %get3A_419 = arith.constant 1 : i32
      %get3A_420 = arith.index_cast %add3A_62 : i32 to index
      %get3A_421 = arith.index_cast %get3A_419 : i32 to index
      %get3A_422 = arith.constant 80 : index
      %get3A_423 = tpu.vector_load %arg11[%get3A_420, %get3A_421, %get3A_422] {strides = array<i32>} : memref<32x2x128xf32, #tpu.memory_space<vmem>>, vector<1x1x16xf32>,
      %get3A_424 = vector.shape_cast %get3A_423 : vector<1x1x16xf32> to vector<16xf32>
      %sub3A_425 = arith.subf %get3A_411, %get3A_424 : vector<16xf32>
      %mul3A_426 = arith.mulf %sub3A_418, %sub3A_418 : vector<16xf32>
      %mul3A_427 = arith.mulf %sub3A_425, %sub3A_425 : vector<16xf32>
      %add3A_428 = arith.addf %add3A_402, %mul3A_426 : vector<16xf32>
      %add3A_429 = arith.addf %add3A_403, %mul3A_427 : vector<16xf32>
      %mul3A_430 = arith.mulf %mul3A_426, %mul3A_426 : vector<16xf32>
      %add3A_431 = arith.addf %add3A_405, %mul3A_430 : vector<16xf32>
      %mul3A_432 = arith.mulf %mul3A_427, %mul3A_427 : vector<16xf32>
      %add3A_433 = arith.addf %add3A_407, %mul3A_432 : vector<16xf32>
      %get3A_434 = arith.index_cast %add3A_62 : i32 to index
      %get3A_435 = arith.constant 224 : index
      %get3A_436 = tpu.vector_load %arg9[%get3A_434, %get3A_435] {strides = array<i32>} : memref<32x256xf32, #tpu.memory_space<vmem>>, vector<1x16xf32>,
      %get3A_437 = vector.shape_cast %get3A_436 : vector<1x16xf32> to vector<16xf32>
      %get3A_438 = arith.constant 1 : i32
      %get3A_439 = arith.index_cast %add3A_62 : i32 to index
      %get3A_440 = arith.index_cast %get3A_438 : i32 to index
      %get3A_441 = arith.constant 96 : index
      %get3A_442 = tpu.vector_load %arg10[%get3A_439, %get3A_440, %get3A_441] {strides = array<i32>} : memref<32x2x128xf32, #tpu.memory_space<vmem>>, vector<1x1x16xf32>,
      %get3A_443 = vector.shape_cast %get3A_442 : vector<1x1x16xf32> to vector<16xf32>
      %sub3A_444 = arith.subf %get3A_437, %get3A_443 : vector<16xf32>
      %get3A_445 = arith.constant 1 : i32
      %get3A_446 = arith.index_cast %add3A_62 : i32 to index
      %get3A_447 = arith.index_cast %get3A_445 : i32 to index
      %get3A_448 = arith.constant 96 : index
      %get3A_449 = tpu.vector_load %arg11[%get3A_446, %get3A_447, %get3A_448] {strides = array<i32>} : memref<32x2x128xf32, #tpu.memory_space<vmem>>, vector<1x1x16xf32>,
      %get3A_450 = vector.shape_cast %get3A_449 : vector<1x1x16xf32> to vector<16xf32>
      %sub3A_451 = arith.subf %get3A_437, %get3A_450 : vector<16xf32>
      %mul3A_452 = arith.mulf %sub3A_444, %sub3A_444 : vector<16xf32>
      %mul3A_453 = arith.mulf %sub3A_451, %sub3A_451 : vector<16xf32>
      %add3A_454 = arith.addf %add3A_428, %mul3A_452 : vector<16xf32>
      %add3A_455 = arith.addf %add3A_429, %mul3A_453 : vector<16xf32>
      %mul3A_456 = arith.mulf %mul3A_452, %mul3A_452 : vector<16xf32>
      %add3A_457 = arith.addf %add3A_431, %mul3A_456 : vector<16xf32>
      %mul3A_458 = arith.mulf %mul3A_453, %mul3A_453 : vector<16xf32>
      %add3A_459 = arith.addf %add3A_433, %mul3A_458 : vector<16xf32>
      %get3A_460 = arith.index_cast %add3A_62 : i32 to index
      %get3A_461 = arith.constant 240 : index
      %get3A_462 = tpu.vector_load %arg9[%get3A_460, %get3A_461] {strides = array<i32>} : memref<32x256xf32, #tpu.memory_space<vmem>>, vector<1x16xf32>,
      %get3A_463 = vector.shape_cast %get3A_462 : vector<1x16xf32> to vector<16xf32>
      %get3A_464 = arith.constant 1 : i32
      %get3A_465 = arith.index_cast %add3A_62 : i32 to index
      %get3A_466 = arith.index_cast %get3A_464 : i32 to index
      %get3A_467 = arith.constant 112 : index
      %get3A_468 = tpu.vector_load %arg10[%get3A_465, %get3A_466, %get3A_467] {strides = array<i32>} : memref<32x2x128xf32, #tpu.memory_space<vmem>>, vector<1x1x16xf32>,
      %get3A_469 = vector.shape_cast %get3A_468 : vector<1x1x16xf32> to vector<16xf32>
      %sub3A_470 = arith.subf %get3A_463, %get3A_469 : vector<16xf32>
      %get3A_471 = arith.constant 1 : i32
      %get3A_472 = arith.index_cast %add3A_62 : i32 to index
      %get3A_473 = arith.index_cast %get3A_471 : i32 to index
      %get3A_474 = arith.constant 112 : index
      %get3A_475 = tpu.vector_load %arg11[%get3A_472, %get3A_473, %get3A_474] {strides = array<i32>} : memref<32x2x128xf32, #tpu.memory_space<vmem>>, vector<1x1x16xf32>,
      %get3A_476 = vector.shape_cast %get3A_475 : vector<1x1x16xf32> to vector<16xf32>
      %sub3A_477 = arith.subf %get3A_463, %get3A_476 : vector<16xf32>
      %mul3A_478 = arith.mulf %sub3A_470, %sub3A_470 : vector<16xf32>
      %mul3A_479 = arith.mulf %sub3A_477, %sub3A_477 : vector<16xf32>
      %add3A_480 = arith.addf %add3A_454, %mul3A_478 : vector<16xf32>
      %add3A_481 = arith.addf %add3A_455, %mul3A_479 : vector<16xf32>
      %mul3A_482 = arith.mulf %mul3A_478, %mul3A_478 : vector<16xf32>
      %add3A_483 = arith.addf %add3A_457, %mul3A_482 : vector<16xf32>
      %mul3A_484 = arith.mulf %mul3A_479, %mul3A_479 : vector<16xf32>
      %add3A_485 = arith.addf %add3A_459, %mul3A_484 : vector<16xf32>
      %eq3A_486 = vector.broadcast %scan3A_56 : i32 to vector<16xi32>
      %eq3A_487 = arith.cmpi eq, %iota3A, %eq3A_486 : vector<16xi32>
      %xor3A = arith.constant 8 : i32
      %xor3A_488 = vector.broadcast %xor3A : i32 to vector<16xi32>
      %xor3A_489 = arith.xori %iota3A, %xor3A_488 : vector<16xi32>
      %broadcast_in_dim3A_490 = vector.shape_cast %xor3A_489 : vector<16xi32> to vector<16x1xi32>
      %gather3A = vector.shape_cast %broadcast_in_dim3A_490 : vector<16x1xi32> to vector<16xi32>
      %gather3A_491 = tpu.dynamic_gather %add3A_480[%gather3A] in [0] : vector<16xf32>, vector<16xi32> -> vector<16xf32>
      %add3A_492 = arith.addf %add3A_480, %gather3A_491 : vector<16xf32>
      %xor3A_493 = arith.constant 4 : i32
      %xor3A_494 = vector.broadcast %xor3A_493 : i32 to vector<16xi32>
      %xor3A_495 = arith.xori %iota3A, %xor3A_494 : vector<16xi32>
      %broadcast_in_dim3A_496 = vector.shape_cast %xor3A_495 : vector<16xi32> to vector<16x1xi32>
      %gather3A_497 = vector.shape_cast %broadcast_in_dim3A_496 : vector<16x1xi32> to vector<16xi32>
      %gather3A_498 = tpu.dynamic_gather %add3A_492[%gather3A_497] in [0] : vector<16xf32>, vector<16xi32> -> vector<16xf32>
      %add3A_499 = arith.addf %add3A_492, %gather3A_498 : vector<16xf32>
      %xor3A_500 = arith.constant 2 : i32
      %xor3A_501 = vector.broadcast %xor3A_500 : i32 to vector<16xi32>
      %xor3A_502 = arith.xori %iota3A, %xor3A_501 : vector<16xi32>
      %broadcast_in_dim3A_503 = vector.shape_cast %xor3A_502 : vector<16xi32> to vector<16x1xi32>
      %gather3A_504 = vector.shape_cast %broadcast_in_dim3A_503 : vector<16x1xi32> to vector<16xi32>
      %gather3A_505 = tpu.dynamic_gather %add3A_499[%gather3A_504] in [0] : vector<16xf32>, vector<16xi32> -> vector<16xf32>
      %add3A_506 = arith.addf %add3A_499, %gather3A_505 : vector<16xf32>
      %xor3A_507 = arith.constant 1 : i32
      %xor3A_508 = vector.broadcast %xor3A_507 : i32 to vector<16xi32>
      %xor3A_509 = arith.xori %iota3A, %xor3A_508 : vector<16xi32>
      %broadcast_in_dim3A_510 = vector.shape_cast %xor3A_509 : vector<16xi32> to vector<16x1xi32>
      %gather3A_511 = vector.shape_cast %broadcast_in_dim3A_510 : vector<16x1xi32> to vector<16xi32>
      %gather3A_512 = tpu.dynamic_gather %add3A_506[%gather3A_511] in [0] : vector<16xf32>, vector<16xi32> -> vector<16xf32>
      %add3A_513 = arith.addf %add3A_506, %gather3A_512 : vector<16xf32>
      %select_n3A_514 = arith.select %eq3A_487, %add3A_513, %scan3A_57 : vector<16xi1>, vector<16xf32>
      %xor3A_515 = arith.constant 8 : i32
      %xor3A_516 = vector.broadcast %xor3A_515 : i32 to vector<16xi32>
      %xor3A_517 = arith.xori %iota3A, %xor3A_516 : vector<16xi32>
      %broadcast_in_dim3A_518 = vector.shape_cast %xor3A_517 : vector<16xi32> to vector<16x1xi32>
      %gather3A_519 = vector.shape_cast %broadcast_in_dim3A_518 : vector<16x1xi32> to vector<16xi32>
      %gather3A_520 = tpu.dynamic_gather %add3A_481[%gather3A_519] in [0] : vector<16xf32>, vector<16xi32> -> vector<16xf32>
      %add3A_521 = arith.addf %add3A_481, %gather3A_520 : vector<16xf32>
      %xor3A_522 = arith.constant 4 : i32
      %xor3A_523 = vector.broadcast %xor3A_522 : i32 to vector<16xi32>
      %xor3A_524 = arith.xori %iota3A, %xor3A_523 : vector<16xi32>
      %broadcast_in_dim3A_525 = vector.shape_cast %xor3A_524 : vector<16xi32> to vector<16x1xi32>
      %gather3A_526 = vector.shape_cast %broadcast_in_dim3A_525 : vector<16x1xi32> to vector<16xi32>
      %gather3A_527 = tpu.dynamic_gather %add3A_521[%gather3A_526] in [0] : vector<16xf32>, vector<16xi32> -> vector<16xf32>
      %add3A_528 = arith.addf %add3A_521, %gather3A_527 : vector<16xf32>
      %xor3A_529 = arith.constant 2 : i32
      %xor3A_530 = vector.broadcast %xor3A_529 : i32 to vector<16xi32>
      %xor3A_531 = arith.xori %iota3A, %xor3A_530 : vector<16xi32>
      %broadcast_in_dim3A_532 = vector.shape_cast %xor3A_531 : vector<16xi32> to vector<16x1xi32>
      %gather3A_533 = vector.shape_cast %broadcast_in_dim3A_532 : vector<16x1xi32> to vector<16xi32>
      %gather3A_534 = tpu.dynamic_gather %add3A_528[%gather3A_533] in [0] : vector<16xf32>, vector<16xi32> -> vector<16xf32>
      %add3A_535 = arith.addf %add3A_528, %gather3A_534 : vector<16xf32>
      %xor3A_536 = arith.constant 1 : i32
      %xor3A_537 = vector.broadcast %xor3A_536 : i32 to vector<16xi32>
      %xor3A_538 = arith.xori %iota3A, %xor3A_537 : vector<16xi32>
      %broadcast_in_dim3A_539 = vector.shape_cast %xor3A_538 : vector<16xi32> to vector<16x1xi32>
      %gather3A_540 = vector.shape_cast %broadcast_in_dim3A_539 : vector<16x1xi32> to vector<16xi32>
      %gather3A_541 = tpu.dynamic_gather %add3A_535[%gather3A_540] in [0] : vector<16xf32>, vector<16xi32> -> vector<16xf32>
      %add3A_542 = arith.addf %add3A_535, %gather3A_541 : vector<16xf32>
      %select_n3A_543 = arith.select %eq3A_487, %add3A_542, %scan3A_58 : vector<16xi1>, vector<16xf32>
      %xor3A_544 = arith.constant 8 : i32
      %xor3A_545 = vector.broadcast %xor3A_544 : i32 to vector<16xi32>
      %xor3A_546 = arith.xori %iota3A, %xor3A_545 : vector<16xi32>
      %broadcast_in_dim3A_547 = vector.shape_cast %xor3A_546 : vector<16xi32> to vector<16x1xi32>
      %gather3A_548 = vector.shape_cast %broadcast_in_dim3A_547 : vector<16x1xi32> to vector<16xi32>
      %gather3A_549 = tpu.dynamic_gather %add3A_483[%gather3A_548] in [0] : vector<16xf32>, vector<16xi32> -> vector<16xf32>
      %add3A_550 = arith.addf %add3A_483, %gather3A_549 : vector<16xf32>
      %xor3A_551 = arith.constant 4 : i32
      %xor3A_552 = vector.broadcast %xor3A_551 : i32 to vector<16xi32>
      %xor3A_553 = arith.xori %iota3A, %xor3A_552 : vector<16xi32>
      %broadcast_in_dim3A_554 = vector.shape_cast %xor3A_553 : vector<16xi32> to vector<16x1xi32>
      %gather3A_555 = vector.shape_cast %broadcast_in_dim3A_554 : vector<16x1xi32> to vector<16xi32>
      %gather3A_556 = tpu.dynamic_gather %add3A_550[%gather3A_555] in [0] : vector<16xf32>, vector<16xi32> -> vector<16xf32>
      %add3A_557 = arith.addf %add3A_550, %gather3A_556 : vector<16xf32>
      %xor3A_558 = arith.constant 2 : i32
      %xor3A_559 = vector.broadcast %xor3A_558 : i32 to vector<16xi32>
      %xor3A_560 = arith.xori %iota3A, %xor3A_559 : vector<16xi32>
      %broadcast_in_dim3A_561 = vector.shape_cast %xor3A_560 : vector<16xi32> to vector<16x1xi32>
      %gather3A_562 = vector.shape_cast %broadcast_in_dim3A_561 : vector<16x1xi32> to vector<16xi32>
      %gather3A_563 = tpu.dynamic_gather %add3A_557[%gather3A_562] in [0] : vector<16xf32>, vector<16xi32> -> vector<16xf32>
      %add3A_564 = arith.addf %add3A_557, %gather3A_563 : vector<16xf32>
      %xor3A_565 = arith.constant 1 : i32
      %xor3A_566 = vector.broadcast %xor3A_565 : i32 to vector<16xi32>
      %xor3A_567 = arith.xori %iota3A, %xor3A_566 : vector<16xi32>
      %broadcast_in_dim3A_568 = vector.shape_cast %xor3A_567 : vector<16xi32> to vector<16x1xi32>
      %gather3A_569 = vector.shape_cast %broadcast_in_dim3A_568 : vector<16x1xi32> to vector<16xi32>
      %gather3A_570 = tpu.dynamic_gather %add3A_564[%gather3A_569] in [0] : vector<16xf32>, vector<16xi32> -> vector<16xf32>
      %add3A_571 = arith.addf %add3A_564, %gather3A_570 : vector<16xf32>
      %select_n3A_572 = arith.select %eq3A_487, %add3A_571, %scan3A_59 : vector<16xi1>, vector<16xf32>
      %xor3A_573 = arith.constant 8 : i32
      %xor3A_574 = vector.broadcast %xor3A_573 : i32 to vector<16xi32>
      %xor3A_575 = arith.xori %iota3A, %xor3A_574 : vector<16xi32>
      %broadcast_in_dim3A_576 = vector.shape_cast %xor3A_575 : vector<16xi32> to vector<16x1xi32>
      %gather3A_577 = vector.shape_cast %broadcast_in_dim3A_576 : vector<16x1xi32> to vector<16xi32>
      %gather3A_578 = tpu.dynamic_gather %add3A_485[%gather3A_577] in [0] : vector<16xf32>, vector<16xi32> -> vector<16xf32>
      %add3A_579 = arith.addf %add3A_485, %gather3A_578 : vector<16xf32>
      %xor3A_580 = arith.constant 4 : i32
      %xor3A_581 = vector.broadcast %xor3A_580 : i32 to vector<16xi32>
      %xor3A_582 = arith.xori %iota3A, %xor3A_581 : vector<16xi32>
      %broadcast_in_dim3A_583 = vector.shape_cast %xor3A_582 : vector<16xi32> to vector<16x1xi32>
      %gather3A_584 = vector.shape_cast %broadcast_in_dim3A_583 : vector<16x1xi32> to vector<16xi32>
      %gather3A_585 = tpu.dynamic_gather %add3A_579[%gather3A_584] in [0] : vector<16xf32>, vector<16xi32> -> vector<16xf32>
      %add3A_586 = arith.addf %add3A_579, %gather3A_585 : vector<16xf32>
      %xor3A_587 = arith.constant 2 : i32
      %xor3A_588 = vector.broadcast %xor3A_587 : i32 to vector<16xi32>
      %xor3A_589 = arith.xori %iota3A, %xor3A_588 : vector<16xi32>
      %broadcast_in_dim3A_590 = vector.shape_cast %xor3A_589 : vector<16xi32> to vector<16x1xi32>
      %gather3A_591 = vector.shape_cast %broadcast_in_dim3A_590 : vector<16x1xi32> to vector<16xi32>
      %gather3A_592 = tpu.dynamic_gather %add3A_586[%gather3A_591] in [0] : vector<16xf32>, vector<16xi32> -> vector<16xf32>
      %add3A_593 = arith.addf %add3A_586, %gather3A_592 : vector<16xf32>
      %xor3A_594 = arith.constant 1 : i32
      %xor3A_595 = vector.broadcast %xor3A_594 : i32 to vector<16xi32>
      %xor3A_596 = arith.xori %iota3A, %xor3A_595 : vector<16xi32>
      %broadcast_in_dim3A_597 = vector.shape_cast %xor3A_596 : vector<16xi32> to vector<16x1xi32>
      %gather3A_598 = vector.shape_cast %broadcast_in_dim3A_597 : vector<16x1xi32> to vector<16xi32>
      %gather3A_599 = tpu.dynamic_gather %add3A_593[%gather3A_598] in [0] : vector<16xf32>, vector<16xi32> -> vector<16xf32>
      %add3A_600 = arith.addf %add3A_593, %gather3A_599 : vector<16xf32>
      %select_n3A_601 = arith.select %eq3A_487, %add3A_600, %scan3A_60 : vector<16xi1>, vector<16xf32>
      scf.yield %select_n3A_514, %select_n3A_543, %select_n3A_572, %select_n3A_601 : vector<16xf32>, vector<16xf32>, vector<16xf32>, vector<16xf32>
    }
    %scan3A_39 = arith.constant 16 : i32
    %get3A_40 = arith.constant 16 : index
    %get3A_41 = tpu.vector_load %arg7[%get3A_40] {strides = array<i32>} : memref<32xi32, #tpu.memory_space<vmem>>, vector<16xi32>,
    %get3A_42 = vector.shape_cast %get3A_41 : vector<16xi32> to vector<16xi32>
    %get3A_43 = arith.constant 16 : index
    %get3A_44 = tpu.vector_load %arg8[%get3A_43] {strides = array<i32>} : memref<32xi32, #tpu.memory_space<vmem>>, vector<16xi32>,
    %get3A_45 = vector.shape_cast %get3A_44 : vector<16xi32> to vector<16xi32>
    %lt3A_46 = arith.cmpf olt, %scan3A_38#1, %scan3A_38#0 : vector<16xf32>
    %eq3A_47 = arith.cmpf oeq, %scan3A_38#1, %scan3A_38#0 : vector<16xf32>
    %lt3A_48 = arith.cmpi slt, %get3A_45, %get3A_42 : vector<16xi32>
    %and3A_49 = arith.andi %eq3A_47, %lt3A_48 : vector<16xi1>
    %or3A_50 = arith.ori %lt3A_46, %and3A_49 : vector<16xi1>
    %select_n3A_51 = arith.select %or3A_50, %scan3A_38#3, %scan3A_38#2 : vector<16xi1>, vector<16xf32>
    %swap3A_52 = arith.constant 16 : index
    %swap3A_53 = tpu.vector_load %arg12[%swap3A_52] {strides = array<i32>} : memref<32xf32, #tpu.memory_space<vmem>>, vector<16xf32>,
    %swap3A_54 = vector.shape_cast %swap3A_53 : vector<16xf32> to vector<16xf32>
    %swap3A_55 = vector.shape_cast %select_n3A_51 : vector<16xf32> to vector<16xf32>
    tpu.vector_store %arg12[%swap3A_52], %swap3A_55 {strides = array<i32>} : memref<32xf32, #tpu.memory_space<vmem>>, vector<16xf32>,
    "tpu.region"() ({
      %run_scoped3A = tpu.sem_alloc : memref<!tpu.dma_semaphore, #tpu.memory_space<semaphore_mem>>
      %dma_start3A_56 = tpu.memref_slice %arg6[%mul3A_2] : memref<1024xf32, #tpu.memory_space<hbm>> -> memref<32xf32, #tpu.memory_space<hbm>>
      %dma_start3A_57 = tpu.memref_slice %arg6[%mul3A_2] : memref<1024xf32, #tpu.memory_space<hbm>> -> memref<32xf32, #tpu.memory_space<hbm>>
      tpu.enqueue_dma source(%arg12 : memref<32xf32, #tpu.memory_space<vmem>>) target(%dma_start3A_57 : memref<32xf32, #tpu.memory_space<hbm>>) target_semaphore(%run_scoped3A : memref<!tpu.dma_semaphore, #tpu.memory_space<semaphore_mem>>)
      %dma_wait3A_58 = tpu.memref_slice %arg6[%mul3A_2] : memref<1024xf32, #tpu.memory_space<hbm>> -> memref<32xf32, #tpu.memory_space<hbm>>
      %dma_wait3A_59 = tpu.memref_slice %arg6[%mul3A_2] : memref<1024xf32, #tpu.memory_space<hbm>> -> memref<32xf32, #tpu.memory_space<hbm>>
      tpu.wait_dma2 semaphore(%run_scoped3A : memref<!tpu.dma_semaphore, #tpu.memory_space<semaphore_mem>>) src(%arg12 : memref<32xf32, #tpu.memory_space<vmem>>) dst(%dma_wait3A_59 : memref<32xf32, #tpu.memory_space<hbm>>)
      tpu.yield
    }) : () -> ()
    return
  }
}

module attributes {stable_mosaic.version = 14 : i64} {
  func.func @_tc_topk_kernel(%arg0: memref<1024x256xf32, #tpu.memory_space<vmem>>, %arg1: memref<512x256xf32, #tpu.memory_space<vmem>>, %arg2: memref<1024x256xf32, #tpu.memory_space<vmem>>, %arg3: memref<1024x1xi32, #tpu.memory_space<vmem>>, %arg4: memref<1024x1xi32, #tpu.memory_space<vmem>>) attributes {dimension_semantics = [], scalar_prefetch = 0 : i64, scratch_operands = 0 : i64, tpu.core_type = #tpu.core_type<tc>} {
    %get3A = arith.constant 0 : index
    %get3A_0 = arith.constant 0 : index
    %get3A_1 = vector.load %arg1[%get3A, %get3A_0] : memref<512x256xf32, #tpu.memory_space<vmem>>, vector<512x256xf32>
    %broadcast_in_dim3A = arith.constant 1.000000e+00 : f32
    %broadcast_in_dim3A_2 = vector.broadcast %broadcast_in_dim3A : f32 to vector<1x256xf32>
    %mul3A = arith.mulf %get3A_1, %get3A_1 : vector<512x256xf32>
    %dot_general3A = arith.constant dense<0.000000e+00> : vector<1x512xf32>
    %dot_general3A_3 = tpu.matmul %broadcast_in_dim3A_2, %mul3A, %dot_general3A {dimension_numbers = #tpu.dot_dimension_numbers<[1], [1], [0], [0], [0, 0, 1, 0], [], []>, precision = #tpu.contract_precision<fp32>, transpose_lhs_hint = false} : vector<1x256xf32>, vector<512x256xf32>, vector<1x512xf32> -> vector<1x512xf32>
    %get3A_4 = arith.constant 0 : index
    %get3A_5 = arith.constant 0 : index
    %get3A_6 = vector.load %arg0[%get3A_4, %get3A_5] : memref<1024x256xf32, #tpu.memory_space<vmem>>, vector<1024x256xf32>
    %mul3A_7 = arith.mulf %get3A_6, %get3A_6 : vector<1024x256xf32>
    %reduce_sum3A = arith.constant dense<0.000000e+00> : vector<1024xf32>
    %reduce_sum3A_8 = vector.multi_reduction <add>, %mul3A_7, %reduce_sum3A [1] : vector<1024x256xf32> to vector<1024xf32>
    %broadcast_in_dim3A_9 = vector.shape_cast %reduce_sum3A_8 : vector<1024xf32> to vector<1024x1xf32>
    %sqrt3A = math.sqrt %broadcast_in_dim3A_9 : vector<1024x1xf32>
    %max3A = arith.constant 9.99999996E-13 : f32
    %max3A_10 = vector.broadcast %max3A : f32 to vector<1024x1xf32>
    %max3A_11 = arith.maximumf %sqrt3A, %max3A_10 : vector<1024x1xf32>
    %div3A = vector.broadcast %max3A_11 : vector<1024x1xf32> to vector<1024x256xf32>
    %div3A_12 = arith.divf %get3A_6, %div3A : vector<1024x256xf32>
    %swap3A = arith.constant 0 : index
    %swap3A_13 = arith.constant 0 : index
    %swap3A_14 = vector.load %arg2[%swap3A, %swap3A_13] : memref<1024x256xf32, #tpu.memory_space<vmem>>, vector<1024x256xf32>
    tpu.vector_store %arg2[%swap3A, %swap3A_13], %div3A_12 {strides = array<i32>} : memref<1024x256xf32, #tpu.memory_space<vmem>>, vector<1024x256xf32>,
    %dot_general3A_15 = arith.constant dense<0.000000e+00> : vector<1024x512xf32>
    %dot_general3A_16 = tpu.matmul %div3A_12, %get3A_1, %dot_general3A_15 {dimension_numbers = #tpu.dot_dimension_numbers<[1], [1], [0], [0], [0, 0, 1, 0], [], []>, precision = #tpu.contract_precision<fp32>, transpose_lhs_hint = false} : vector<1024x256xf32>, vector<512x256xf32>, vector<1024x512xf32> -> vector<1024x512xf32>
    %mul3A_17 = arith.constant 2.000000e+00 : f32
    %mul3A_18 = vector.broadcast %mul3A_17 : f32 to vector<1024x512xf32>
    %mul3A_19 = arith.mulf %mul3A_18, %dot_general3A_16 : vector<1024x512xf32>
    %sub3A = vector.broadcast %dot_general3A_3 : vector<1x512xf32> to vector<1024x512xf32>
    %sub3A_20 = arith.subf %sub3A, %mul3A_19 : vector<1024x512xf32>
    %iota3A = tpu.iota {dimensions = array<i32: 1>} : vector<1024x512xi32>
    %reduce_min3A = arith.constant dense<0x7F800000> : vector<1024xf32>
    %reduce_min3A_21 = vector.multi_reduction <minimumf>, %sub3A_20, %reduce_min3A [1] : vector<1024x512xf32> to vector<1024xf32>
    %broadcast_in_dim3A_22 = vector.shape_cast %reduce_min3A_21 : vector<1024xf32> to vector<1024x1xf32>
    %le3A = vector.broadcast %broadcast_in_dim3A_22 : vector<1024x1xf32> to vector<1024x512xf32>
    %le3A_23 = arith.cmpf ole, %sub3A_20, %le3A : vector<1024x512xf32>
    %jit3A = arith.constant 512 : i32
    %broadcast_in_dim3A_24 = vector.broadcast %jit3A : i32 to vector<1024x512xi32>
    %select_n3A = arith.select %le3A_23, %iota3A, %broadcast_in_dim3A_24 : vector<1024x512xi1>, vector<1024x512xi32>
    %reduce_min3A_25 = arith.constant dense<2147483647> : vector<1024xi32>
    %reduce_min3A_26 = vector.multi_reduction <minsi>, %select_n3A, %reduce_min3A_25 [1] : vector<1024x512xi32> to vector<1024xi32>
    %broadcast_in_dim3A_27 = vector.shape_cast %reduce_min3A_26 : vector<1024xi32> to vector<1024x1xi32>
    %eq3A = vector.broadcast %broadcast_in_dim3A_27 : vector<1024x1xi32> to vector<1024x512xi32>
    %eq3A_28 = arith.cmpi eq, %iota3A, %eq3A : vector<1024x512xi32>
    %jit3A_29 = arith.constant 0x7F800000 : f32
    %broadcast_in_dim3A_30 = vector.broadcast %jit3A_29 : f32 to vector<1024x512xf32>
    %select_n3A_31 = arith.select %eq3A_28, %broadcast_in_dim3A_30, %sub3A_20 : vector<1024x512xi1>, vector<1024x512xf32>
    %reduce_min3A_32 = arith.constant dense<0x7F800000> : vector<1024xf32>
    %reduce_min3A_33 = vector.multi_reduction <minimumf>, %select_n3A_31, %reduce_min3A_32 [1] : vector<1024x512xf32> to vector<1024xf32>
    %broadcast_in_dim3A_34 = vector.shape_cast %reduce_min3A_33 : vector<1024xf32> to vector<1024x1xf32>
    %le3A_35 = vector.broadcast %broadcast_in_dim3A_34 : vector<1024x1xf32> to vector<1024x512xf32>
    %le3A_36 = arith.cmpf ole, %select_n3A_31, %le3A_35 : vector<1024x512xf32>
    %jit3A_37 = arith.constant 512 : i32
    %broadcast_in_dim3A_38 = vector.broadcast %jit3A_37 : i32 to vector<1024x512xi32>
    %select_n3A_39 = arith.select %le3A_36, %iota3A, %broadcast_in_dim3A_38 : vector<1024x512xi1>, vector<1024x512xi32>
    %reduce_min3A_40 = arith.constant dense<2147483647> : vector<1024xi32>
    %reduce_min3A_41 = vector.multi_reduction <minsi>, %select_n3A_39, %reduce_min3A_40 [1] : vector<1024x512xi32> to vector<1024xi32>
    %broadcast_in_dim3A_42 = vector.shape_cast %reduce_min3A_41 : vector<1024xi32> to vector<1024x1xi32>
    %swap3A_43 = arith.constant 0 : index
    %swap3A_44 = arith.constant 0 : index
    %swap3A_45 = vector.load %arg3[%swap3A_43, %swap3A_44] : memref<1024x1xi32, #tpu.memory_space<vmem>>, vector<1024x1xi32>
    tpu.vector_store %arg3[%swap3A_43, %swap3A_44], %broadcast_in_dim3A_27 {strides = array<i32>} : memref<1024x1xi32, #tpu.memory_space<vmem>>, vector<1024x1xi32>,
    %swap3A_46 = arith.constant 0 : index
    %swap3A_47 = arith.constant 0 : index
    %swap3A_48 = vector.load %arg4[%swap3A_46, %swap3A_47] : memref<1024x1xi32, #tpu.memory_space<vmem>>, vector<1024x1xi32>
    tpu.vector_store %arg4[%swap3A_46, %swap3A_47], %broadcast_in_dim3A_42 {strides = array<i32>} : memref<1024x1xi32, #tpu.memory_space<vmem>>, vector<1024x1xi32>,
    return
  }
}

</mosaic_0001>

<sc_bundles>
// kernel: kernel.4.cloned.1.call-start
scs
__scs_entry_jumppad:
0x0: {  	(pc) =	sbr.rel $0x88, $3  }
0x1: {  	(tag) =	ssettag $0x0;
	lr =	simm.s32 $0x1  }
0x2: {  	[smem:$0x3F9F] =	sst lr;
	_ =	strace $0xD0000000  }
0x3: {  	_ = 	snop  }
0x4: {  	_ = 	snop  }
0x5: {  	_ = 	snop  }
0x6: {  	_ = 	snop  }
0x7: {  	_ = 	snop  }
__scs_overlays_trampoline_lowered:
0x8: {  	[smem:$0x3FAE] =	sst s0  }
0x9: {  	[smem:$0x3FAF] =	sst s1  }
0xa: {  	[smem:$0x3FB0] =	sst s2  }
0xb: {  	[smem:$0x3FB1] =	sst s3  }
0xc: {  	[smem:$0x3FB2] =	sst s4  }
0xd: {  	[smem:$0x3FB3] =	sst s5  }
0xe: {  	[smem:$0x3FB4] =	sst s6  }
0xf: {  	[smem:$0x3FB5] =	sst s7  }
0x10: {  	[smem:$0x3FB6] =	sst s8  }
0x11: {  	[smem:$0x3FB7] =	sst s9;
	s0 =	simm.s32 @!p0 $0x0  }
0x12: {  	s1 =	sld [smem:$0x3F9D];
	s0 =	simm.s32 @p0 $0x1  }
0x13: {  	[smem:$0x3FB8] =	sst s0;
	s0 =	simm.s32 @!p1 $0x0  }
0x14: {  	s2 =	sld [smem:$0x3F9C];
	s0 =	simm.s32 @p1 $0x1  }
0x15: {  	[smem:$0x3FB9] =	sst s0;
	s0 =	simm.s32 @!p2 $0x0  }
0x16: {  	s3 =	sld [smem:$0x3FDB];
	s0 =	simm.s32 @p2 $0x1  }
0x17: {  	s4 =	simm.s32 $0x1BF5;
	[smem:$0x3FBB] =	sst s0  }
0x18: {  	s0 =	sld [smem:$0x3F9E];
	_ =	swait.ge [sflag:s4], $0x0  }
0x19: {  	s7 =	sld [smem:$0x3F9F]  }
0x1a: {  	s8 =	sadd.s32 $0xFFFFE003, lr  }
0x1b: {  	s9 =	sadd.s32 $0xFFFFFEF7, lr;
	s5 =	simm.s32 $0xFFFFFFFF;
	p2 =	slt.u32 s8, $0xFFFFF086  }
0x1c: {  	p1 =	slt.u32 s9, $0xF7A;
	s5 =	simm.s32 @!p2 $0x0  }
0x1d: {  	s5 =	simm.s32 @p1 $0x1;
	p0 =	seq.s32 s7, s2  }
0x1e: {  	s7 =	smul.u32 @!p0 $0xF7A, s2;
	p2 =	seq.s32 @!p0 s5, $0x0  }
0x1f: {  	s9 =	smul.u32 $0xF7A, s1;
	s8 =	simm.s32 @!p0 $0x1BF5;
	p2 =	por !p2, p0  }
0x20: {  	[sflag:s8] =	ssyncset.s32 @!p0 $0xFFFFF086;
	s6 =	sadd.s32 @!p0 s3, s7;
	s7 =	simm.s32 @!p0 $0x108  }
0x21: {  	s3 =	sadd.s32 s3, s9;
	s6 =	sadd.s32 @!p0 $0x88, s6;
	s7 =	simm.s32 @p2 $0x1082  }
0x22: {  	[simem:s7], [sflag:s8] =	dma.local @!p0 [hbm:s6], $0xF7A  }
0x23: {  	s9 =	sor.u32 $0xD0000000, s2;
	s6 =	simm.s32 $0x108;
	_ =	swait.ge @!p0 [sflag:s8], $0x0  }
0x24: {  	s3 =	sadd.s32 $0x88, s3;
	s6 =	simm.s32 @!p1 $0x1082;
	[sflag:s4] =	ssyncset.s32 $0xFFFFF086  }
0x25: {  	[simem:s6], [sflag:s4] =	dma.local [hbm:s3], $0xF7A  }
0x26: {  	[smem:$0x3F9F] =	sst s1;
	(tag) =	ssettag s2;
	_ =	strace s9  }
0x27: {  	s1 =	sld [smem:$0x3FAF]  }
0x28: {  	s2 =	sld [smem:$0x3FB0]  }
0x29: {  	s4 =	sld [smem:$0x3FB2]  }
0x2a: {  	p0 =	seq.s32 s5, $0x0;
	s5 =	sld [smem:$0x3FB3]  }
0x2b: {  	s6 =	sld [smem:$0x3FB4]  }
0x2c: {  	s7 =	sld [smem:$0x3FB5]  }
0x2d: {  	s3 =	simm.s32 $0x108;
	s8 =	sld [smem:$0x3FB6]  }
0x2e: {  	s3 =	simm.s32 @!p0 $0x1082;
	s9 =	sld [smem:$0x3FB7]  }
0x2f: {  	lr =	sadd.s32 s0, s3;
	s0 =	sld [smem:$0x3FAE]  }
0x30: {  	s3 =	sld [smem:$0x3FB1]  }
0x31: {  	[smem:$0x3FBA] =	sst s10  }
0x32: {  	s10 =	sld [smem:$0x3FB8];
	_ =	sdelay $0x3  }
0x33: {  	p0 =	seq.s32 s10, $0x1;
	s10 =	sld [smem:$0x3FBA];
	_ =	sdelay $0x3  }
0x34: {  	[smem:$0x3FBA] =	sst s10  }
0x35: {  	s10 =	sld [smem:$0x3FB9];
	_ =	sdelay $0x3  }
0x36: {  	p1 =	seq.s32 s10, $0x1;
	s10 =	sld [smem:$0x3FBA];
	_ =	sdelay $0x3  }
0x37: {  	[smem:$0x3FBA] =	sst s10  }
0x38: {  	s10 =	sld [smem:$0x3FBB]  }
0x39: {  	_ = 	snop;
	(pc) =	sbr.ind lr, $3  }
0x3a: {  	_ = 	snop  }
0x3b: {  	_ = 	snop  }
0x3c: {  	p2 =	seq.s32 s10, $0x1;
	s10 =	sld [smem:$0x3FBA]  }
0x3d: {  	_ =	shalt  }
0x3e: {  	_ =	shalt  }
0x3f: {  	_ =	shalt  }
0x40: {  	_ =	shalt  }
0x41: {  	_ =	shalt  }
0x42: {  	_ =	shalt  }
0x43: {  	_ =	shalt  }
0x44: {  	_ =	shalt  }
0x45: {  	_ =	shalt  }
0x46: {  	_ =	shalt  }
0x47: {  	_ =	shalt  }
0x48: {  	_ =	shalt  }
0x49: {  	_ =	shalt  }
0x4a: {  	_ =	shalt  }
0x4b: {  	_ =	shalt  }
0x4c: {  	_ =	shalt  }
0x4d: {  	_ =	shalt  }
0x4e: {  	_ =	shalt  }
0x4f: {  	_ =	shalt  }
0x50: {  	_ =	shalt  }
0x51: {  	_ =	shalt  }
0x52: {  	_ =	shalt  }
0x53: {  	_ =	shalt  }
0x54: {  	_ =	shalt  }
0x55: {  	_ =	shalt  }
0x56: {  	_ =	shalt  }
0x57: {  	_ =	shalt  }
0x58: {  	_ =	shalt  }
0x59: {  	_ =	shalt  }
0x5a: {  	_ =	shalt  }
0x5b: {  	_ =	shalt  }
0x5c: {  	_ =	shalt  }
0x5d: {  	_ =	shalt  }
0x5e: {  	_ =	shalt  }
0x5f: {  	_ =	shalt  }
0x60: {  	_ =	shalt  }
0x61: {  	_ =	shalt  }
0x62: {  	_ =	shalt  }
0x63: {  	_ =	shalt  }
0x64: {  	_ =	shalt  }
0x65: {  	_ =	shalt  }
0x66: {  	_ =	shalt  }
0x67: {  	_ =	shalt  }
0x68: {  	_ =	shalt  }
0x69: {  	_ =	shalt  }
0x6a: {  	_ =	shalt  }
0x6b: {  	_ =	shalt  }
0x6c: {  	_ =	shalt  }
0x6d: {  	_ =	shalt  }
0x6e: {  	_ =	shalt  }
0x6f: {  	_ =	shalt  }
0x70: {  	_ =	shalt  }
0x71: {  	_ =	shalt  }
0x72: {  	_ =	shalt  }
0x73: {  	_ =	shalt  }
0x74: {  	_ =	shalt  }
0x75: {  	_ =	shalt  }
0x76: {  	_ =	shalt  }
0x77: {  	_ =	shalt  }
0x78: {  	_ =	shalt  }
0x79: {  	_ =	shalt  }
0x7a: {  	_ =	shalt  }
0x7b: {  	_ =	shalt  }
0x7c: {  	_ =	shalt  }
0x7d: {  	_ =	shalt  }
0x7e: {  	_ =	shalt  }
0x7f: {  	_ =	shalt  }
0x80: {  	_ =	shalt  }
0x81: {  	_ =	shalt  }
0x82: {  	_ =	shalt  }
0x83: {  	_ =	shalt  }
0x84: {  	_ =	shalt  }
0x85: {  	_ =	shalt  }
0x86: {  	_ =	shalt  }
0x87: {  	_ =	shalt  }
.Lfunc_end0:
.L_simem_size_0:
called_computation_lowered:
.L_overlay_start_0:
0x88: {  	s2 =	sld [smem:$0x3FD9]  }
0x89: {  	s3 =	sld [smem:$0x3FFE];
	_ =	sdelay $0x1  }
0x8a: {  	s1 =	srdreg.scid  }
0x8b: {  	s0 =	sand.u32 $0x1, s1  }
0x8c: {  	s17 =	sshll.u32 s0, $0xA;
	s2 =	sadd.s32 s3, s2  }
0x8d: {  	s2 =	sadd.s32 s2, s17  }
0x8e: {  	[smem:$0x3FC6] =	sst s2  }
0x8f: {  	_ = 	snop  }
0x90: {  	s2 =	sld [smem:$0x3FD0];
	(tm) =	ssettm $0x1  }
0x91: {  	s18 =	sld [smem:$0x3FFB];
	_ =	sdelay $0x3  }
0x92: {  	_ =	strace s18  }
0x93: {  	s3 =	sld [smem:$0x3FFC];
	_ =	sdelay $0x3  }
0x94: {  	_ =	strace s3  }
0x95: {  	s3 =	sld [smem:$0x3FFD];
	_ =	sdelay $0x3  }
0x96: {  	_ =	strace s3  }
0x97: {  	_ =	strace $0x8FFFFFFF  }
0x98: {  	s19 =	sld [smem:$0x3FDB];
	_ =	sdelay $0x1  }
0x99: {  	s4 =	simm.s32 $_scs_section_size  }
0x9a: {  	s5 =	simm.s32 $_size__tile_overlayer_lowered;
	s6 =	simm.s32 $_tile_overlayer_lowered  }
0x9b: {  	s22 =	simm.s32 $0x1BFF;
	s21 =	sshll.u32 s6, $0x1;
	s3 =	sadd.s32 s4, s19  }
0x9c: {  	s7 =	simm.s32 $0x0;
	s20 =	sshll.u32 s5, $0x1;
	s5 =	sadd.s32 s21, s3  }
0x9d: {  	[timem:s7], [sflag:s22] =	dma.local [hbm:s5], s20  }
0x9e: {  	_ =	swait.ge [sflag:s22], s20  }
0x9f: {  	s4 =	ssub.s32 $0x0, s20;
	[sflag:s22] =	ssyncset.done $0x0  }
0xa0: {  	[sflag:s22] =	ssyncadd.s32 s4;
	_ =	sdelay $0x1  }
0xa1: {  	s23 =	simm.s32 $0x1B8B  }
0xa2: {  	_ =	swait.ge [sflag:s23], $0x1  }
0xa3: {  	[sflag:s23] =	ssyncset.done $0x0  }
0xa4: {  	s25 =	simm.s32 $0x1B8E;
	s24 =	sld [smem:$0x3FFE];
	[sflag:s23] =	ssyncadd.s32 $0xFFFFFFFF  }
0xa5: {  	s26 =	simm.s32 $execute0_lowered;
	[smem:$0x3FD2] =	sst s25  }
0xa6: {  	s5 =	sshll.u32 s26, $0x1;
	_ =	strace $0x80000046;
	[dreg:$0x1] =	wrdreg $0xFFFFFFFF  }
0xa7: {  	s28 =	simm.s32 $_size_execute0_lowered;
	s3 =	sadd.s32 s3, s5;
	[dreg:$0x0] =	wrdreg $0x0  }
0xa8: {  	s5 =	sshll.u32 s28, $0x1;
	[dreg:$0x2] =	wrdreg s3  }
0xa9: {  	[dreg:$0x3] =	wrdreg s5  }
0xaa: {  	[dreg:$0x4] =	wrdreg $0xC0  }
0xab: {  	_ =	task [dreg:s7], $0x5FFFF  }
0xac: {  	[dreg:$0x1] =	wrdreg $0xFFFFFFFF  }
0xad: {  	[dreg:$0x0] =	wrdreg $0x60  }
0xae: {  	[dreg:$0x2] =	wrdreg s24  }
0xaf: {  	[dreg:$0x3] =	wrdreg s2  }
0xb0: {  	[dreg:$0x4] =	wrdreg $0x9  }
0xb1: {  	_ =	task.clear_ibuf [dreg:s7], $0x5FFFF;
	_ =	strace $0x90000046  }
0xb2: {  	s29 =	simm.s32 $0x9;
	_ =	strace $0x80000048  }
0xb3: {  	_ =	swait.ge [sflag:s29], $0x1  }
0xb4: {  	[sflag:s29] =	ssyncadd.s32 $0xFFFFFFFF  }
0xb5: {  	_ =	strace $0x90000048  }
0xb6: {  	_ =	sfence  }
0xb7: {  	s30 =	sld [smem:$0x0];
	_ =	sdelay $0x2  }
0xb8: {  	s31 =	sshll.u32 s1, $0xD;
	s1 =	sshrl.u32 s1, $0x2  }
0xb9: {  	s3 =	sand.u32 $0x4000, s31;
	s1 =	sadd.s32 s1, s30  }
0xba: {  	s0 =	sor.u32 s3, s0;
	s1 =	sshll.u32 s1, $0x11  }
0xbb: {  	s0 =	sor.u32 s1, s0  }
0xbc: {  	s0 =	sadd.s32 $0x8F2B, s0  }
0xbd: {  	[sflag:s0] =	ssyncadd.remote.s32 $0x1  }
0xbe: {  	_ =	sfence.sel $0xFFFF  }
0xbf: {  	[dreg:$0x0] =	wrdreg $0xFFFFFFFF;
	(pc) =	sbr.abs _section_cstart, $3  }
0xc0: {  	[dreg:$0x1] =	wrdreg $0xFFFFFFFF  }
0xc1: {  	_ =	task.clear_ibuf [dreg:s7], $0x2FFFF;
	_ =	strace $0x9FFFFFFF  }
0xc2: {  	(tm) =	ssettm $0x7FFFFFFF  }
0xc3: {  	_ =	shalt  }
tec
execute0_lowered:
.L_overlay_start_1:
0x0: {  	(tag) =	ssettag $0x1  }
0x1: {  	s4 =	rddreg [dreg:$0x0]  }
0x2: {  	s5 =	rddreg [dreg:$0x1];
	v0 =	vimm.s32 $0xFEDCBA98;
	v1 =	vimm.s32 $0x76543210  }
0x3: {  	s0 =	rddreg [dreg:$0x2];
	s1 =	simm.s32 $0x0;
	v2 =	vimm.s32 $0xBA98FEDC;
	v3 =	vimm.s32 $0x32107654;
	v4 =	vimm.s32 $0xDCFE98BA  }
0x4: {  	s3 =	srdreg.scid;
	s2 =	stileid.u32;
	v5 =	vimm.s32 $0x54761032;
	v6 =	vimm.s32 $0xEFCDAB89;
	v7 =	vimm.s32 $0x67452301;
	s11 =	simm.s32 $0x100  }
0x5: {  	s12 =	simm.s32 $0x20;
	s13 =	simm.s32 $0x2100;
	s14 =	simm.s32 $0x4100;
	v0 =	vunpack.c.l.s4.s8 v0;
	v1 =	vunpack.c.l.s4.s8 v1;
	v2 =	vunpack.c.l.s4.s8 v2  }
0x6: {  	s15 =	simm.s32 $0x1;
	s16 =	simm.s32 $0x6100;
	s17 =	simm.s32 $0x0;
	v3 =	vunpack.c.l.s4.s8 v3;
	v4 =	vunpack.c.l.s4.s8 v4;
	v5 =	vunpack.c.l.s4.s8 v5  }
0x7: {  	[smem:$0x7FF] =	sst s1;
	s6 =	sand.u32 $0x1, s3;
	s3 =	sadd.s32 $0x200, s4;
	v6 =	vunpack.c.l.s4.s8 v6;
	v7 =	vunpack.c.l.s4.s8 v7;
	v0 =	vunpack.c.0.s8.s32 v0  }
0x8: {  	s7 =	sshll.u32 s2, $0x6;
	s8 =	sshll.u32 s6, $0x5;
	s6 =	ssub.s32 $0x2, s6;
	v2 =	vunpack.c.0.s8.s32 v2;
	v3 =	vunpack.c.0.s8.s32 v3;
	v4 =	vunpack.c.0.s8.s32 v4  }
0x9: {  	_ =	strace $0x80000047;
	s7 =	sor.u32 s8, s7;
	s31 =	sshrl.u32 s6, $0x1;
	v5 =	vunpack.c.0.s8.s32 v5;
	v6 =	vunpack.c.0.s8.s32 v6;
	v7 =	vunpack.c.0.s8.s32 v7  }
0xa: {  	v1 =	vunpack.c.0.s8.s32 v1;
	s8 =	sshll.u32 s7, $0x5;
	s7 =	sshrl.u32 s7, $0x3;
	s10 =	ssub.s32 s6, s31;
	v2 =	vcombine.low v3, v2  }
0xb: {  	s8 =	sadd.s32 s8, s4;
	s9 =	sadd.s32 s7, s4;
	s4 =	sadd.s32 s5, s7;
	v3 =	vcombine.low v5, v4;
	v4 =	vand.u32 $0xF, v0;
	v5 =	vcombine.low v7, v6  }
0xc: {  	v0 =	vlaneseq.u32;
	s5 =	sadd.s32 $0xC200, s9;
	s6 =	sadd.s32 $0x4200, s8;
	s7 =	sadd.s32 $0xC400, s9;
	v1 =	vcombine.low v4, v1  }
0xd: {  	s8 =	smax.u32 s10, $0x1;
	s9 =	simm.s32 $0x2;
	s10 =	simm.s32 $0x80;
	v2 =	vand.u32 $0xF, v2;
	v3 =	vand.u32 $0xF, v3;
	v4 =	vand.u32 $0xF, v5  }
.LBB2_1:
0xe: {  	[tilespmem:s1], [sflag:$0x2] =	stream.linear.gather [hbm4b:s4+s1], $0x20, $0x38;
	[tilespmem:$0x6180] =	vst v63  }
0xf: {  	_ =	swait.ge [sflag:s9], $0x20  }
0x10: {  	[sflag:s9] =	ssyncset.done $0x0  }
0x11: {  	[sflag:s9] =	ssyncadd.s32 $0xFFFFFFE0  }
0x12: {  	[tilespmem:s10], [sflag:$0x2] =	stream.linear.gather [hbm4b:s5+s1], $0x20, $0x38;
	[tilespmem:$0x6180] =	vst v63  }
0x13: {  	_ =	swait.ge [sflag:s9], $0x20  }
0x14: {  	[sflag:s9] =	ssyncset.done $0x0  }
0x15: {  	[sflag:s9] =	ssyncadd.s32 $0xFFFFFFE0  }
0x16: {  	[tilespmem:s11], [sflag:$0x2] =	stream.linear.gather [hbm4b:s6+s1], $0x2000, $0x38;
	[tilespmem:$0x6180] =	vst v63  }
0x17: {  	_ =	swait.ge [sflag:s9], $0x2000  }
0x18: {  	[sflag:s9] =	ssyncset.done $0x0  }
0x19: {  	[sflag:s9] =	ssyncadd.s32 $0xFFFFE000  }
0x1a: {  	[tilespmem:s13], [sflag:$0x1] =	stream.indirect.gather [hbm4b:s3+s12], $0x100, s1, s12, $0xb8;
	[tilespmem:$0x6180] =	vst v63  }
0x1b: {  	_ = 	snop  }
0x1c: {  	[tilespmem:s14], [sflag:$0x1] =	stream.indirect.gather [hbm4b:s3+s12], $0x100, s10, s12, $0xb8;
	[tilespmem:$0x6180] =	vst v63  }
0x1d: {  	_ =	swait.ge [sflag:s15], $0x2000  }
0x1e: {  	[sflag:s15] =	ssyncset.done $0x0  }
0x1f: {  	[sflag:s15] =	ssyncadd.s32 $0xFFFFE000  }
0x20: {  	_ =	swait.ge [sflag:s15], $0x2000  }
0x21: {  	[sflag:s15] =	ssyncset.done $0x0  }
0x22: {  	s18 =	simm.s32 $0x2180;
	[sflag:s15] =	ssyncadd.s32 $0xFFFFE000  }
0x23: {  	v5 =	vld [tilespmem:s18+$0xFFFFFFD0]  }
0x24: {  	v6 =	vld [tilespmem:s18+$0xFFFFFFC0]  }
0x25: {  	v7 =	vld [tilespmem:s18+$0xFFFFFFB0]  }
0x26: {  	v8 =	vld [tilespmem:s18+$0xFFFFFFA0]  }
0x27: {  	v9 =	vld [tilespmem:s18+$0xFFFFFF80]  }
0x28: {  	s19 =	simm.s32 $0x4180;
	v10 =	vld [tilespmem:s18+$0xFFFFFF90]  }
0x29: {  	v11 =	vld [tilespmem:s19+$0xFFFFFFA0]  }
0x2a: {  	s20 =	sand.u32 $0x800, s1;
	s21 =	sand.u32 $0x380, s1;
	v12 =	vld [tilespmem:s19+$0xFFFFFF80]  }
0x2b: {  	s20 =	sor.u32 s21, s20;
	v13 =	vld [tilespmem:s19+$0xFFFFFF90]  }
0x2c: {  	v14 =	vld [tilespmem:s20+$0x100]  }
0x2d: {  	v15 =	vld [tilespmem:s20+$0x110]  }
0x2e: {  	v16 =	vld [tilespmem:s20+$0x120]  }
0x2f: {  	v17 =	vld [tilespmem:s19+$0xFFFFFFC0]  }
0x30: {  	v18 =	vld [tilespmem:s19+$0xFFFFFFB0]  }
0x31: {  	v19 =	vld [tilespmem:s20+$0x130]  }
0x32: {  	v20 =	vld [tilespmem:s19+$0xFFFFFFD0]  }
0x33: {  	v21 =	vld [tilespmem:s20+$0x150];
	v9 =	vsub.f32 v14, v9  }
0x34: {  	v44 =	vld [tilespmem:s19+$0x50];
	v12 =	vsub.f32 v14, v12;
	v13 =	vsub.f32 v15, v13  }
0x35: {  	v14 =	vld [tilespmem:s20+$0x140];
	v11 =	vsub.f32 v16, v11;
	v10 =	vsub.f32 v15, v10  }
0x36: {  	v34 =	vld [tilespmem:s20+$0x550];
	v8 =	vsub.f32 v16, v8;
	v12 =	vmul.f32 v12, v12;
	v13 =	vmul.f32 v13, v13  }
0x37: {  	v23 =	vld [tilespmem:s20+$0x160];
	v18 =	vsub.f32 v19, v18;
	v7 =	vsub.f32 v19, v7;
	v11 =	vmul.f32 v11, v11  }
0x38: {  	v25 =	vld [tilespmem:s19+$0xFFFFFFF0];
	v19 =	vsub.f32 v21, v20;
	v16 =	vmul.f32 v12, v12;
	v22 =	vmul.f32 v13, v13  }
0x39: {  	v15 =	vld [tilespmem:s19+$0xFFFFFFE0];
	v5 =	vsub.f32 v21, v5;
	v9 =	vmul.f32 v9, v9;
	v18 =	vmul.f32 v18, v18  }
0x3a: {  	v26 =	vld [tilespmem:s20+$0x170];
	v17 =	vsub.f32 v14, v17;
	v16 =	vadd.f32 v22, v16;
	v22 =	vmul.f32 v11, v11  }
0x3b: {  	v28 =	vld [tilespmem:s20+$0x500];
	v21 =	vsub.f32 v34, v44;
	v10 =	vmul.f32 v10, v10;
	v19 =	vmul.f32 v19, v19  }
0x3c: {  	v20 =	vld [tilespmem:s19+$0x0];
	v17 =	vmul.f32 v17, v17;
	v16 =	vadd.f32 v22, v16;
	v22 =	vmul.f32 v18, v18  }
0x3d: {  	v29 =	vld [tilespmem:s20+$0x510];
	v24 =	vmul.f32 v9, v9;
	v27 =	vmul.f32 v10, v10;
	v9 =	vadd.f32 v10, v9  }
0x3e: {  	v30 =	vld [tilespmem:s20+$0x520];
	v15 =	vsub.f32 v23, v15;
	v16 =	vadd.f32 v22, v16;
	v22 =	vmul.f32 v17, v17  }
0x3f: {  	v10 =	vsub.f32 v26, v25;
	v24 =	vadd.f32 v27, v24;
	v27 =	vld [tilespmem:s19+$0x10]  }
0x40: {  	v25 =	vld [tilespmem:s19+$0x20];
	v15 =	vmul.f32 v15, v15;
	v16 =	vadd.f32 v22, v16;
	v22 =	vmul.f32 v19, v19  }
0x41: {  	v31 =	vld [tilespmem:s20+$0x530];
	v12 =	vadd.f32 v13, v12;
	v13 =	vsub.f32 v28, v20  }
0x42: {  	v20 =	vld [tilespmem:s19+$0x30];
	v10 =	vmul.f32 v10, v10;
	v16 =	vadd.f32 v22, v16;
	v22 =	vmul.f32 v15, v15  }
0x43: {  	v8 =	vmul.f32 v8, v8;
	v6 =	vsub.f32 v14, v6;
	v13 =	vmul.f32 v13, v13  }
0x44: {  	v33 =	vld [tilespmem:s20+$0x540];
	v14 =	vsub.f32 v29, v27;
	v16 =	vadd.f32 v22, v16;
	v22 =	vmul.f32 v10, v10  }
0x45: {  	v7 =	vmul.f32 v7, v7;
	v21 =	vmul.f32 v21, v21;
	v25 =	vsub.f32 v30, v25;
	v27 =	vld [tilespmem:s19+$0x40]  }
0x46: {  	v14 =	vmul.f32 v14, v14;
	v16 =	vadd.f32 v22, v16;
	v22 =	vmul.f32 v13, v13  }
0x47: {  	v35 =	vld [tilespmem:s20+$0x560];
	v32 =	vmul.f32 v8, v8;
	v8 =	vadd.f32 v8, v9;
	v9 =	vsub.f32 v31, v20  }
0x48: {  	v20 =	vld [tilespmem:s19+$0x60];
	v25 =	vmul.f32 v25, v25;
	v16 =	vadd.f32 v22, v16;
	v22 =	vmul.f32 v14, v14  }
0x49: {  	v45 =	vld [tilespmem:s18+$0xFFFFFFE0];
	v5 =	vmul.f32 v5, v5;
	v11 =	vadd.f32 v11, v12;
	v9 =	vmul.f32 v9, v9  }
0x4a: {  	v37 =	vld [tilespmem:s20+$0x570];
	v12 =	vsub.f32 v33, v27;
	v16 =	vadd.f32 v22, v16;
	v22 =	vmul.f32 v25, v25  }
0x4b: {  	v36 =	vmul.f32 v7, v7;
	v24 =	vadd.f32 v32, v24;
	v7 =	vadd.f32 v7, v8;
	v27 =	vld [tilespmem:s19+$0x70]  }
0x4c: {  	v12 =	vmul.f32 v12, v12;
	v16 =	vadd.f32 v22, v16;
	v22 =	vmul.f32 v9, v9  }
0x4d: {  	v6 =	vmul.f32 v6, v6;
	v11 =	vadd.f32 v18, v11;
	v20 =	vsub.f32 v35, v20  }
0x4e: {  	v18 =	vsub.f32 v23, v45;
	v16 =	vadd.f32 v22, v16;
	v22 =	vmul.f32 v12, v12  }
0x4f: {  	v24 =	vadd.f32 v36, v24;
	v11 =	vadd.f32 v17, v11;
	v20 =	vmul.f32 v20, v20  }
0x50: {  	v8 =	vsub.f32 v37, v27;
	v27 =	vld [tilespmem:s18+$0xFFFFFFF0];
	v16 =	vadd.f32 v22, v16;
	v22 =	vmul.f32 v21, v21  }
0x51: {  	v38 =	vmul.f32 v6, v6;
	v6 =	vadd.f32 v6, v7;
	v11 =	vadd.f32 v19, v11  }
0x52: {  	v23 =	vld [tilespmem:s18+$0x0];
	v8 =	vmul.f32 v8, v8;
	v16 =	vadd.f32 v22, v16;
	v22 =	vmul.f32 v20, v20  }
0x53: {  	v46 =	vmul.f32 v5, v5;
	v7 =	vadd.f32 v38, v24;
	v5 =	vadd.f32 v5, v6  }
0x54: {  	v11 =	vadd.f32 v15, v11;
	v17 =	vmul.f32 v8, v8;
	v16 =	vadd.f32 v22, v16  }
0x55: {  	v18 =	vmul.f32 v18, v18;
	v24 =	vld [tilespmem:s18+$0x10];
	v7 =	vadd.f32 v46, v7;
	v22 =	vsub.f32 v26, v27  }
0x56: {  	v10 =	vadd.f32 v10, v11;
	v6 =	vadd.f32 v17, v16  }
0x57: {  	v26 =	vmul.f32 v18, v18;
	v16 =	vmul.f32 v22, v22;
	v17 =	vsub.f32 v28, v23  }
0x58: {  	v5 =	vadd.f32 v18, v5;
	v10 =	vadd.f32 v13, v10;
	v18 =	vld [tilespmem:s18+$0x20];
	v19 =	vperm.xlane v6, v1  }
0x59: {  	v7 =	vadd.f32 v26, v7;
	v15 =	vmul.f32 v16, v16;
	v17 =	vmul.f32 v17, v17  }
0x5a: {  	v22 =	vsub.f32 v29, v24;
	v23 =	vld [tilespmem:s18+$0x30];
	v5 =	vadd.f32 v16, v5  }
0x5b: {  	v6 =	vadd.f32 v19, v6;
	v7 =	vadd.f32 v15, v7;
	v15 =	vmul.f32 v17, v17;
	v19 =	vld [tilespmem:s18+$0x40]  }
0x5c: {  	v10 =	vadd.f32 v14, v10;
	v11 =	vmul.f32 v22, v22;
	v5 =	vadd.f32 v17, v5  }
0x5d: {  	v14 =	vld [tilespmem:s18+$0x70];
	v16 =	vperm.xlane v6, v2;
	v7 =	vadd.f32 v15, v7;
	v15 =	vsub.f32 v30, v18  }
0x5e: {  	v17 =	vmul.f32 v11, v11;
	v5 =	vadd.f32 v11, v5  }
0x5f: {  	v6 =	vadd.f32 v16, v6;
	v13 =	vmul.f32 v15, v15;
	v15 =	vsub.f32 v31, v23;
	v16 =	vld [tilespmem:s18+$0x50]  }
0x60: {  	v7 =	vadd.f32 v17, v7;
	v17 =	vsub.f32 v33, v19  }
0x61: {  	s28 =	simm.s32 $0x4280;
	v18 =	vld [tilespmem:s18+$0x60];
	v11 =	vmul.f32 v13, v13;
	v15 =	vmul.f32 v15, v15  }
0x62: {  	s29 =	simm.s32 $0x80;
	s30 =	simm.s32 $0x100;
	v50 =	vld [tilespmem:s28+$0x10];
	v14 =	vsub.f32 v37, v14;
	v5 =	vadd.f32 v13, v5;
	v13 =	vmul.f32 v17, v17  }
0x63: {  	s21 =	sand.u32 $0x800, s30;
	v55 =	vld [tilespmem:s28+$0x40];
	s20 =	sand.u32 $0x380, s29;
	v17 =	vadd.f32 v25, v10;
	v7 =	vadd.f32 v11, v7;
	v11 =	vmul.f32 v15, v15  }
0x64: {  	v58 =	vld [tilespmem:s28+$0x50];
	s20 =	sor.u32 s20, s21;
	v5 =	vadd.f32 v15, v5;
	v16 =	vsub.f32 v34, v16  }
0x65: {  	v47 =	vld [tilespmem:s20+$0x170];
	v9 =	vadd.f32 v9, v17;
	v7 =	vadd.f32 v11, v7  }
0x66: {  	v51 =	vld [tilespmem:s20+$0x510];
	v11 =	vmul.f32 v13, v13;
	v15 =	vmul.f32 v16, v16;
	v16 =	vsub.f32 v35, v18  }
0x67: {  	v23 =	vld [tilespmem:s20+$0x120];
	v19 =	vperm.xlane v6, v3;
	v5 =	vadd.f32 v13, v5;
	v9 =	vadd.f32 v12, v9  }
0x68: {  	v25 =	vld [tilespmem:s28+$0xFFFFFFC0];
	v7 =	vadd.f32 v11, v7;
	v13 =	vmul.f32 v15, v15;
	v16 =	vmul.f32 v16, v16  }
0x69: {  	s26 =	simm.s32 $0x2280;
	v14 =	vmul.f32 v14, v14;
	v6 =	vadd.f32 v19, v6;
	v19 =	vld [tilespmem:s20+$0x110];
	v5 =	vadd.f32 v15, v5  }
0x6a: {  	v17 =	vld [tilespmem:s26+$0xFFFFFFC0];
	v9 =	vadd.f32 v21, v9;
	v7 =	vadd.f32 v13, v7;
	v13 =	vmul.f32 v16, v16  }
0x6b: {  	v18 =	vld [tilespmem:s26+$0xFFFFFFA0];
	v5 =	vadd.f32 v16, v5  }
0x6c: {  	v12 =	vld [tilespmem:s26+$0xFFFFFF80];
	v9 =	vadd.f32 v20, v9;
	v7 =	vadd.f32 v13, v7;
	v13 =	vmul.f32 v14, v14  }
0x6d: {  	v21 =	vld [tilespmem:s28+$0xFFFFFF80];
	v5 =	vadd.f32 v14, v5  }
0x6e: {  	v8 =	vadd.f32 v8, v9;
	v7 =	vadd.f32 v13, v7;
	v13 =	vld [tilespmem:s20+$0x100]  }
0x6f: {  	v14 =	vld [tilespmem:s28+$0xFFFFFF90];
	v9 =	vperm.xlane v5, v1  }
0x70: {  	v15 =	vld [tilespmem:s26+$0xFFFFFF90];
	v20 =	vperm.xlane v6, v4;
	v24 =	vperm.xlane v8, v1  }
0x71: {  	v16 =	vld [tilespmem:s28+$0xFFFFFFA0];
	v22 =	vperm.xlane v7, v1;
	v5 =	vadd.f32 v5, v9  }
0x72: {  	v11 =	vld [tilespmem:s26+$0xFFFFFFB0];
	v9 =	vadd.f32 v20, v6;
	v6 =	vadd.f32 v24, v8  }
0x73: {  	v20 =	vadd.f32 v22, v7;
	v22 =	vld [tilespmem:s28+$0xFFFFFFB0];
	v8 =	vsub.f32 v13, v12  }
0x74: {  	v14 =	vsub.f32 v19, v14;
	v7 =	vperm.xlane v5, v2;
	v12 =	vld [tilespmem:s20+$0x130];
	v13 =	vsub.f32 v13, v21  }
0x75: {  	v21 =	vld [tilespmem:s20+$0x140];
	v24 =	vperm.xlane v20, v2;
	v26 =	vmul.f32 v8, v8;
	v8 =	vsub.f32 v19, v15  }
0x76: {  	v7 =	vadd.f32 v5, v7;
	v15 =	vsub.f32 v23, v16;
	v16 =	vld [tilespmem:s28+$0xFFFFFFD0];
	v5 =	vmul.f32 v13, v13  }
0x77: {  	v18 =	vsub.f32 v23, v18;
	v13 =	vmul.f32 v14, v14;
	v14 =	vld [tilespmem:s20+$0x150];
	v19 =	vmul.f32 v8, v8  }
0x78: {  	v29 =	vld [tilespmem:s20+$0x160];
	v15 =	vmul.f32 v15, v15;
	v27 =	vmul.f32 v5, v5;
	v8 =	vadd.f32 v24, v20  }
0x79: {  	v23 =	vld [tilespmem:s28+$0xFFFFFFE0];
	v28 =	vmul.f32 v13, v13;
	v13 =	vadd.f32 v13, v5;
	v22 =	vsub.f32 v12, v22  }
0x7a: {  	v49 =	vld [tilespmem:s20+$0x500];
	v18 =	vmul.f32 v18, v18;
	v24 =	vsub.f32 v21, v25;
	v11 =	vsub.f32 v12, v11  }
0x7b: {  	v57 =	vld [tilespmem:s20+$0x540];
	v27 =	vadd.f32 v28, v27;
	v28 =	vmul.f32 v15, v15;
	v22 =	vmul.f32 v22, v22  }
0x7c: {  	v20 =	vmul.f32 v26, v26;
	v25 =	vld [tilespmem:s28+$0xFFFFFFF0];
	v17 =	vsub.f32 v21, v17;
	v12 =	vsub.f32 v14, v16  }
0x7d: {  	v16 =	vld [tilespmem:s28+$0x0];
	v24 =	vmul.f32 v24, v24;
	v27 =	vadd.f32 v28, v27;
	v28 =	vmul.f32 v22, v22  }
0x7e: {  	v52 =	vld [tilespmem:s20+$0x520];
	v21 =	vsub.f32 v51, v50;
	v48 =	vmul.f32 v19, v19;
	v23 =	vsub.f32 v29, v23  }
0x7f: {  	v10 =	vld [tilespmem:s26+$0xFFFFFFD0];
	v12 =	vmul.f32 v12, v12;
	v27 =	vadd.f32 v28, v27;
	v28 =	vmul.f32 v24, v24  }
0x80: {  	v39 =	vld [tilespmem:s20+$0x550];
	v19 =	vadd.f32 v19, v26;
	v13 =	vadd.f32 v15, v13;
	v23 =	vmul.f32 v23, v23  }
0x81: {  	v26 =	vld [tilespmem:s28+$0x20];
	v25 =	vsub.f32 v47, v25;
	v27 =	vadd.f32 v28, v27;
	v28 =	vmul.f32 v12, v12  }
0x82: {  	v54 =	vmul.f32 v18, v18;
	v15 =	vsub.f32 v57, v55;
	v5 =	vsub.f32 v49, v16  }
0x83: {  	v53 =	vld [tilespmem:s20+$0x530];
	v25 =	vmul.f32 v25, v25;
	v27 =	vadd.f32 v28, v27;
	v28 =	vmul.f32 v23, v23  }
0x84: {  	v21 =	vmul.f32 v21, v21;
	v11 =	vmul.f32 v11, v11;
	v10 =	vsub.f32 v14, v10;
	v16 =	vld [tilespmem:s28+$0x30]  }
0x85: {  	v56 =	vmul.f32 v5, v5;
	v27 =	vadd.f32 v28, v27;
	v28 =	vmul.f32 v25, v25  }
0x86: {  	v59 =	vld [tilespmem:s28+$0x70];
	v14 =	vsub.f32 v39, v58;
	v17 =	vmul.f32 v17, v17;
	v26 =	vsub.f32 v52, v26  }
0x87: {  	v60 =	vld [tilespmem:s26+$0xFFFFFFE0];
	v20 =	vadd.f32 v48, v20;
	v27 =	vadd.f32 v28, v27;
	v28 =	vmul.f32 v56, v56  }
0x88: {  	v41 =	vld [tilespmem:s20+$0x560];
	v18 =	vadd.f32 v18, v19;
	v15 =	vmul.f32 v15, v15;
	v26 =	vmul.f32 v26, v26  }
0x89: {  	v42 =	vld [tilespmem:s20+$0x570];
	v16 =	vsub.f32 v53, v16;
	v27 =	vadd.f32 v28, v27;
	v28 =	vmul.f32 v21, v21  }
0x8a: {  	v19 =	vld [tilespmem:s28+$0x60];
	v43 =	vmul.f32 v11, v11;
	v14 =	vmul.f32 v14, v14;
	v13 =	vadd.f32 v22, v13  }
0x8b: {  	v16 =	vmul.f32 v16, v16;
	v27 =	vadd.f32 v28, v27;
	v28 =	vmul.f32 v26, v26  }
0x8c: {  	v61 =	vmul.f32 v17, v17;
	v22 =	vsub.f32 v29, v60;
	v20 =	vadd.f32 v54, v20  }
0x8d: {  	v11 =	vadd.f32 v11, v18;
	v27 =	vadd.f32 v28, v27;
	v28 =	vmul.f32 v16, v16  }
0x8e: {  	v10 =	vmul.f32 v10, v10;
	v18 =	vsub.f32 v42, v59;
	v13 =	vadd.f32 v24, v13  }
0x8f: {  	v62 =	vld [tilespmem:s26+$0xFFFFFFF0];
	v19 =	vsub.f32 v41, v19;
	v27 =	vadd.f32 v28, v27;
	v28 =	vmul.f32 v15, v15  }
0x90: {  	v20 =	vadd.f32 v43, v20;
	v63 =	vmul.f32 v18, v18;
	v11 =	vadd.f32 v17, v11  }
0x91: {  	v19 =	vmul.f32 v19, v19;
	v27 =	vadd.f32 v28, v27;
	v28 =	vmul.f32 v14, v14  }
0x92: {  	v18 =	vmul.f32 v10, v10;
	v12 =	vadd.f32 v12, v13;
	v13 =	vld [tilespmem:s26+$0x20];
	v17 =	vadd.f32 v61, v20  }
0x93: {  	v29 =	vld [tilespmem:s26+$0x0];
	v10 =	vadd.f32 v10, v11;
	v27 =	vadd.f32 v28, v27;
	v28 =	vmul.f32 v19, v19  }
0x94: {  	v22 =	vmul.f32 v22, v22;
	v17 =	vadd.f32 v18, v17;
	v18 =	vsub.f32 v47, v62  }
0x95: {  	v40 =	vmov s1;
	v24 =	vmul.f32 v63, v63;
	v20 =	vadd.f32 v28, v27  }
0x96: {  	vm0 =	veq.s32 v40, v0;
	v10 =	vadd.f32 v22, v10;
	v18 =	vmul.f32 v18, v18;
	v27 =	vld [tilespmem:s26+$0x10]  }
0x97: {  	v5 =	vimm.f32 $0.0e+00;
	v13 =	vsub.f32 v52, v13;
	v11 =	vadd.f32 v24, v20  }
0x98: {  	v10 =	vadd.f32 v18, v10;
	v20 =	vmul.f32 v22, v22;
	v24 =	vsub.f32 v49, v29  }
0x99: {  	v28 =	vsel vm0, v9, v5;
	v9 =	vadd.f32 v23, v12;
	v12 =	vld [tilespmem:s26+$0x30];
	v22 =	vperm.xlane v11, v1  }
0x9a: {  	v17 =	vadd.f32 v20, v17;
	v20 =	vmul.f32 v18, v18;
	v24 =	vmul.f32 v24, v24  }
0x9b: {  	v11 =	vadd.f32 v22, v11;
	v22 =	vsub.f32 v51, v27  }
0x9c: {  	v13 =	vmul.f32 v13, v13;
	v17 =	vadd.f32 v20, v17;
	v20 =	vmul.f32 v24, v24  }
0x9d: {  	v23 =	vld [tilespmem:s26+$0x40];
	v9 =	vadd.f32 v25, v9;
	v18 =	vperm.xlane v11, v2;
	v22 =	vmul.f32 v22, v22  }
0x9e: {  	vm0 =	vmmov vm0;
	v12 =	vsub.f32 v53, v12;
	v10 =	vadd.f32 v24, v10  }
0x9f: {  	v17 =	vadd.f32 v20, v17;
	v11 =	vadd.f32 v18, v11;
	v18 =	vmul.f32 v22, v22  }
0xa0: {  	v9 =	vadd.f32 v56, v9;
	v12 =	vmul.f32 v12, v12;
	v10 =	vadd.f32 v22, v10;
	v22 =	vld [tilespmem:s26+$0x50]  }
0xa1: {  	v24 =	vperm.xlane v11, v3;
	v17 =	vadd.f32 v18, v17;
	v18 =	vmul.f32 v13, v13  }
0xa2: {  	v25 =	vperm.xlane v8, v3;
	v9 =	vadd.f32 v21, v9;
	v21 =	vsub.f32 v57, v23  }
0xa3: {  	v23 =	vld [tilespmem:s26+$0x60];
	v11 =	vadd.f32 v24, v11;
	v17 =	vadd.f32 v18, v17;
	v18 =	vmul.f32 v12, v12  }
0xa4: {  	v9 =	vadd.f32 v26, v9;
	v21 =	vmul.f32 v21, v21;
	v10 =	vadd.f32 v13, v10  }
0xa5: {  	v13 =	vperm.xlane v11, v4;
	v17 =	vadd.f32 v18, v17;
	v18 =	vsub.f32 v39, v22;
	v22 =	vld [tilespmem:s26+$0x70]  }
0xa6: {  	v29 =	vperm.xlane v7, v3;
	v10 =	vadd.f32 v12, v10;
	v12 =	vmul.f32 v21, v21  }
0xa7: {  	v24 =	vadd.f32 v13, v11;
	v11 =	vadd.f32 v16, v9;
	v13 =	vmul.f32 v18, v18  }
0xa8: {  	s19 =	simm.s32 $0x2380;
	v20 =	vperm.xlane v6, v2;
	v10 =	vadd.f32 v21, v10;
	v16 =	vsub.f32 v41, v23  }
0xa9: {  	v9 =	vld [tilespmem:s19+$0xFFFFFFD0];
	v17 =	vadd.f32 v12, v17;
	v11 =	vadd.f32 v15, v11;
	v15 =	vmul.f32 v13, v13  }
0xaa: {  	s31 =	simm.s32 $0x1;
	v12 =	vld [tilespmem:s19+$0xFFFFFFC0];
	v21 =	vmul.f32 v16, v16;
	v10 =	vadd.f32 v13, v10;
	v13 =	vsub.f32 v42, v22  }
0xab: {  	v18 =	vld [tilespmem:s19+$0xFFFFFFA0];
	v22 =	vmov s31;
	v14 =	vadd.f32 v14, v11;
	v15 =	vadd.f32 v15, v17  }
0xac: {  	v16 =	vld [tilespmem:s19+$0xFFFFFFB0];
	v17 =	vmul.f32 v21, v21;
	vm1 =	veq.s32 v22, v0;
	v11 =	vadd.f32 v20, v6  }
0xad: {  	v10 =	vadd.f32 v21, v10;
	v21 =	vld [tilespmem:s19+$0xFFFFFF80];
	v23 =	vmul.f32 v13, v13;
	v6 =	vsel vm1, v24, v28  }
0xae: {  	s20 =	simm.s32 $0x4380;
	v20 =	vld [tilespmem:s19+$0xFFFFFF90];
	v14 =	vadd.f32 v19, v14;
	v17 =	vadd.f32 v17, v15;
	v26 =	vperm.xlane v11, v3  }
0xaf: {  	s22 =	simm.s32 $0x200;
	s21 =	simm.s32 $0x100;
	v22 =	vld [tilespmem:s20+$0xFFFFFFA0];
	v15 =	vadd.f32 v25, v8;
	v13 =	vadd.f32 v23, v10;
	v10 =	vmul.f32 v23, v23  }
0xb0: {  	s23 =	sand.u32 $0x800, s22;
	s24 =	sand.u32 $0x380, s21;
	v25 =	vadd.f32 v7, v29;
	v8 =	vimm.f32 $0.0e+00;
	v23 =	vld [tilespmem:s20+$0xFFFFFF80];
	v19 =	vadd.f32 v63, v14  }
0xb1: {  	s24 =	sor.u32 s24, s23;
	s23 =	simm.s32 $0x3;
	s18 =	simm.s32 $0x2;
	v7 =	vimm.f32 $0.0e+00;
	v14 =	vld [tilespmem:s20+$0xFFFFFF90];
	v24 =	vadd.f32 v10, v17;
	v27 =	vperm.xlane v13, v1  }
.LBB2_2:
0xb2: {  	p0 =	sne.s32 s23, $0xF;
	v17 =	vld [tilespmem:s24+$0x100];
	v10 =	vperm.xlane v19, v1;
	v26 =	vadd.f32 v26, v11;
	v28 =	vperm.xlane v15, v4  }
0xb3: {  	v29 =	vld [tilespmem:s24+$0x110];
	v27 =	vadd.f32 v13, v27;
	v13 =	vperm.xlane v24, v1;
	v30 =	vperm.xlane v25, v4  }
0xb4: {  	v31 =	vld [tilespmem:s24+$0x120];
	v11 =	vadd.f32 v10, v19;
	v10 =	vperm.xlane v26, v4;
	v15 =	vadd.f32 v28, v15  }
0xb5: {  	v19 =	vld [tilespmem:s20+$0xFFFFFFC0];
	v28 =	vperm.xlane v27, v2;
	v24 =	vadd.f32 v13, v24;
	v25 =	vadd.f32 v25, v30  }
0xb6: {  	v30 =	vld [tilespmem:s20+$0xFFFFFFB0];
	v13 =	vperm.xlane v11, v2;
	v26 =	vadd.f32 v10, v26;
	v5 =	vsel vm0, v15, v5  }
0xb7: {  	v15 =	vsub.f32 v17, v21;
	v21 =	vld [tilespmem:s24+$0x130];
	v10 =	vadd.f32 v27, v28;
	v27 =	vperm.xlane v24, v2  }
0xb8: {  	v17 =	vsub.f32 v17, v23;
	v8 =	vsel vm0, v25, v8;
	v14 =	vsub.f32 v29, v14;
	v23 =	vld [tilespmem:s24+$0x140]  }
0xb9: {  	v20 =	vsub.f32 v29, v20;
	v15 =	vmul.f32 v15, v15;
	v22 =	vsub.f32 v31, v22;
	v25 =	vld [tilespmem:s20+$0xFFFFFFD0]  }
0xba: {  	v17 =	vmul.f32 v17, v17;
	v18 =	vsub.f32 v31, v18;
	v28 =	vmul.f32 v14, v14;
	v29 =	vld [tilespmem:s24+$0x150]  }
0xbb: {  	v20 =	vmul.f32 v20, v20;
	v14 =	vadd.f32 v27, v24;
	v22 =	vmul.f32 v22, v22;
	v31 =	vld [tilespmem:s20+$0xFFFFFFE0]  }
0xbc: {  	v24 =	vmul.f32 v17, v17;
	v27 =	vmul.f32 v28, v28;
	v30 =	vsub.f32 v21, v30;
	v32 =	vld [tilespmem:s24+$0x160]  }
0xbd: {  	v33 =	vmul.f32 v15, v15;
	v34 =	vmul.f32 v20, v20;
	v19 =	vsub.f32 v23, v19;
	v35 =	vld [tilespmem:s20+$0xFFFFFFF0]  }
0xbe: {  	v24 =	vadd.f32 v27, v24;
	v27 =	vmul.f32 v22, v22;
	v30 =	vmul.f32 v30, v30;
	v36 =	vld [tilespmem:s24+$0x170]  }
0xbf: {  	v18 =	vmul.f32 v18, v18;
	v16 =	vsub.f32 v21, v16;
	v21 =	vsub.f32 v29, v25;
	v25 =	vld [tilespmem:s20+$0x0]  }
0xc0: {  	v37 =	vmul.f32 v19, v19;
	v24 =	vadd.f32 v27, v24;
	v27 =	vmul.f32 v30, v30;
	v38 =	vld [tilespmem:s24+$0x500]  }
0xc1: {  	v19 =	vadd.f32 v34, v33;
	v33 =	vmul.f32 v18, v18;
	v31 =	vsub.f32 v32, v31;
	v34 =	vld [tilespmem:s20+$0x10]  }
0xc2: {  	v39 =	vmul.f32 v21, v21;
	v24 =	vadd.f32 v27, v24;
	v27 =	vmul.f32 v37, v37;
	v40 =	vld [tilespmem:s24+$0x510]  }
0xc3: {  	v41 =	vadd.f32 v20, v15;
	v42 =	vmul.f32 v16, v16;
	v15 =	vsub.f32 v36, v35;
	v16 =	vld [tilespmem:s20+$0x20]  }
0xc4: {  	v21 =	vadd.f32 v27, v24;
	v24 =	vmul.f32 v39, v39;
	v27 =	vmul.f32 v31, v31;
	v20 =	vld [tilespmem:s24+$0x520]  }
0xc5: {  	v17 =	vadd.f32 v28, v17;
	v28 =	vmul.f32 v42, v42;
	v25 =	vsub.f32 v38, v25;
	v31 =	vld [tilespmem:s20+$0x30]  }
0xc6: {  	v35 =	vmul.f32 v15, v15;
	v21 =	vadd.f32 v24, v21;
	v24 =	vmul.f32 v27, v27;
	v43 =	vld [tilespmem:s24+$0x530]  }
0xc7: {  	v12 =	vsub.f32 v23, v12;
	v15 =	vperm.xlane v14, v3;
	v23 =	vsub.f32 v40, v34;
	v34 =	vld [tilespmem:s20+$0x40]  }
0xc8: {  	v44 =	vmul.f32 v35, v35;
	v25 =	vmul.f32 v25, v25;
	v24 =	vadd.f32 v24, v21;
	v21 =	vld [tilespmem:s24+$0x540]  }
0xc9: {  	v19 =	vadd.f32 v33, v19;
	v33 =	vmul.f32 v12, v12;
	v12 =	vsub.f32 v20, v16;
	v45 =	vld [tilespmem:s20+$0x50]  }
0xca: {  	v23 =	vmul.f32 v23, v23;
	v24 =	vadd.f32 v44, v24;
	v44 =	vmul.f32 v25, v25;
	v16 =	vld [tilespmem:s24+$0x550]  }
0xcb: {  	v41 =	vadd.f32 v18, v41;
	v46 =	vmul.f32 v33, v33;
	v18 =	vsub.f32 v43, v31;
	v31 =	vld [tilespmem:s20+$0x60]  }
0xcc: {  	v47 =	vmul.f32 v12, v12;
	v24 =	vadd.f32 v44, v24;
	v44 =	vmul.f32 v23, v23;
	v12 =	vld [tilespmem:s24+$0x560]  }
0xcd: {  	v22 =	vadd.f32 v22, v17;
	v17 =	vperm.xlane v10, v3;
	v34 =	vsub.f32 v21, v34;
	v48 =	vld [tilespmem:s20+$0x70]  }
0xce: {  	v49 =	vmul.f32 v18, v18;
	v24 =	vadd.f32 v44, v24;
	v44 =	vmul.f32 v47, v47;
	v18 =	vld [tilespmem:s24+$0x570]  }
0xcf: {  	v7 =	vsel vm0, v26, v7;
	v9 =	vsub.f32 v29, v9;
	v29 =	vsub.f32 v16, v45  }
0xd0: {  	v34 =	vmul.f32 v34, v34;
	v26 =	vld [tilespmem:s19+$0xFFFFFFE0];
	v24 =	vadd.f32 v44, v24;
	v44 =	vmul.f32 v49, v49  }
0xd1: {  	v9 =	vmul.f32 v9, v9;
	v28 =	vadd.f32 v28, v19;
	v19 =	vsub.f32 v12, v31  }
0xd2: {  	v31 =	vmul.f32 v34, v34;
	v29 =	vmul.f32 v29, v29;
	v24 =	vadd.f32 v44, v24  }
0xd3: {  	v41 =	vadd.f32 v42, v41;
	v42 =	vmul.f32 v9, v9;
	v44 =	vsub.f32 v18, v48  }
0xd4: {  	v48 =	vmul.f32 v19, v19;
	v45 =	vld [tilespmem:s19+$0xFFFFFFF0];
	v24 =	vadd.f32 v31, v24;
	v31 =	vmul.f32 v29, v29  }
0xd5: {  	vm0 =	vmmov vm1;
	v22 =	vadd.f32 v30, v22;
	v26 =	vsub.f32 v32, v26  }
0xd6: {  	v19 =	vmul.f32 v44, v44;
	v30 =	vld [tilespmem:s19+$0x0];
	v24 =	vadd.f32 v31, v24;
	v31 =	vmul.f32 v48, v48  }
0xd7: {  	v28 =	vadd.f32 v46, v28;
	v32 =	vadd.f32 v33, v41;
	v26 =	vmul.f32 v26, v26  }
0xd8: {  	v22 =	vadd.f32 v37, v22;
	v24 =	vadd.f32 v31, v24;
	v31 =	vmul.f32 v19, v19  }
0xd9: {  	v28 =	vadd.f32 v42, v28;
	v33 =	vmul.f32 v26, v26;
	v36 =	vsub.f32 v36, v45;
	v37 =	vld [tilespmem:s19+$0x10]  }
0xda: {  	v9 =	vadd.f32 v9, v32;
	v24 =	vadd.f32 v31, v24  }
0xdb: {  	v22 =	vadd.f32 v39, v22;
	v31 =	vmul.f32 v36, v36;
	v30 =	vsub.f32 v38, v30  }
0xdc: {  	v9 =	vadd.f32 v26, v9;
	v26 =	vadd.f32 v33, v28;
	v28 =	vld [tilespmem:s19+$0x20];
	v32 =	vperm.xlane v24, v1  }
0xdd: {  	v22 =	vadd.f32 v27, v22;
	v27 =	vmul.f32 v31, v31;
	v30 =	vmul.f32 v30, v30  }
0xde: {  	v33 =	vsub.f32 v40, v37;
	v36 =	vld [tilespmem:s19+$0x30];
	v24 =	vadd.f32 v32, v24  }
0xdf: {  	v9 =	vadd.f32 v31, v9;
	v26 =	vadd.f32 v27, v26;
	v27 =	vmul.f32 v30, v30  }
0xe0: {  	v22 =	vadd.f32 v35, v22;
	v31 =	vmul.f32 v33, v33;
	v32 =	vperm.xlane v24, v2  }
0xe1: {  	v26 =	vadd.f32 v27, v26;
	v20 =	vsub.f32 v20, v28;
	v27 =	vld [tilespmem:s19+$0x40]  }
0xe2: {  	v9 =	vadd.f32 v30, v9;
	v28 =	vmul.f32 v31, v31;
	v24 =	vadd.f32 v32, v24  }
0xe3: {  	v22 =	vadd.f32 v25, v22;
	v20 =	vmul.f32 v20, v20;
	v25 =	vsub.f32 v43, v36  }
0xe4: {  	v9 =	vadd.f32 v31, v9;
	v26 =	vadd.f32 v28, v26;
	v28 =	vld [tilespmem:s19+$0x50];
	v30 =	vperm.xlane v24, v3  }
0xe5: {  	v22 =	vadd.f32 v23, v22;
	v23 =	vmul.f32 v20, v20;
	v25 =	vmul.f32 v25, v25  }
0xe6: {  	v21 =	vsub.f32 v21, v27;
	v24 =	vadd.f32 v30, v24  }
0xe7: {  	v9 =	vadd.f32 v20, v9;
	v20 =	vadd.f32 v23, v26;
	v23 =	vmul.f32 v25, v25;
	v26 =	vld [tilespmem:s19+$0x60]  }
0xe8: {  	v22 =	vadd.f32 v47, v22;
	v21 =	vmul.f32 v21, v21;
	v27 =	vperm.xlane v24, v4  }
0xe9: {  	v20 =	vadd.f32 v23, v20;
	v16 =	vsub.f32 v16, v28  }
0xea: {  	v23 =	vadd.f32 v25, v9;
	v9 =	vmov s18;
	s18 =	smov.u32 s23;
	v25 =	vld [tilespmem:s19+$0x70];
	v24 =	vadd.f32 v27, v24  }
0xeb: {  	v22 =	vadd.f32 v49, v22;
	v27 =	vmul.f32 v21, v21;
	vm1 =	veq.s32 v9, v0  }
0xec: {  	s19 =	sadd.s32 $0x100, s19;
	v28 =	vmul.f32 v16, v16;
	v16 =	vsub.f32 v12, v26;
	v6 =	vsel vm1, v24, v6  }
0xed: {  	v21 =	vadd.f32 v21, v23;
	v20 =	vadd.f32 v27, v20;
	v9 =	vld [tilespmem:s19+$0xFFFFFFD0]  }
0xee: {  	v22 =	vadd.f32 v34, v22;
	v23 =	vmul.f32 v28, v28;
	v12 =	vld [tilespmem:s19+$0xFFFFFFC0];
	v24 =	vmul.f32 v16, v16  }
0xef: {  	v26 =	vadd.f32 v28, v21;
	v16 =	vld [tilespmem:s19+$0xFFFFFFB0];
	v25 =	vsub.f32 v18, v25  }
0xf0: {  	v22 =	vadd.f32 v29, v22;
	v23 =	vadd.f32 v23, v20;
	v18 =	vld [tilespmem:s19+$0xFFFFFFA0];
	v27 =	vmul.f32 v24, v24  }
.Ltmp0:
0xf1: {  	v11 =	vadd.f32 v13, v11;
	v24 =	vadd.f32 v24, v26;
	v21 =	vld [tilespmem:s19+$0xFFFFFF80];
	v25 =	vmul.f32 v25, v25;
	(pc) =	sbr.rel @p0 .LBB2_2-.Ltmp0, $4  }
0xf2: {  	s20 =	sadd.s32 $0x100, s20;
	v28 =	vadd.f32 v48, v22;
	v20 =	vld [tilespmem:s19+$0xFFFFFF90];
	v27 =	vadd.f32 v27, v23  }
0xf3: {  	s21 =	sadd.s32 $0x80, s21;
	s22 =	sadd.s32 $0x100, s22;
	v26 =	vperm.xlane v11, v3;
	v22 =	vld [tilespmem:s20+$0xFFFFFFA0];
	v13 =	vadd.f32 v25, v24;
	v24 =	vmul.f32 v25, v25  }
0xf4: {  	s25 =	sand.u32 $0x380, s21;
	v15 =	vadd.f32 v15, v14;
	s24 =	sand.u32 $0x800, s22;
	v19 =	vadd.f32 v19, v28;
	v23 =	vld [tilespmem:s20+$0xFFFFFF80]  }
0xf5: {  	s24 =	sor.u32 s25, s24;
	s23 =	sadd.s32 $0x1, s23;
	v25 =	vadd.f32 v10, v17;
	v14 =	vld [tilespmem:s20+$0xFFFFFF90];
	v24 =	vadd.f32 v24, v27;
	v27 =	vperm.xlane v13, v1  }
0xf6: {  	v28 =	vld [tilespmem:s24+$0x100]  }
0xf7: {  	v11 =	vadd.f32 v26, v11;
	v26 =	vld [tilespmem:s24+$0x110]  }
0xf8: {  	v29 =	vld [tilespmem:s24+$0x120]  }
0xf9: {  	v31 =	vld [tilespmem:s20+$0xFFFFFFC0]  }
0xfa: {  	v10 =	vperm.xlane v19, v1;
	v32 =	vld [tilespmem:s20+$0xFFFFFFB0]  }
0xfb: {  	v17 =	vperm.xlane v15, v4;
	v48 =	vld [tilespmem:s20+$0xFFFFFFD0];
	v27 =	vadd.f32 v13, v27;
	v13 =	vperm.xlane v24, v1  }
0xfc: {  	v36 =	vld [tilespmem:s20+$0xFFFFFFF0];
	v30 =	vperm.xlane v25, v4;
	v10 =	vadd.f32 v10, v19;
	v19 =	vperm.xlane v11, v4  }
0xfd: {  	v37 =	vld [tilespmem:s24+$0x170];
	v17 =	vadd.f32 v17, v15;
	v24 =	vadd.f32 v13, v24  }
0xfe: {  	v15 =	vadd.f32 v25, v30;
	v13 =	vadd.f32 v19, v11;
	v19 =	vld [tilespmem:s24+$0x130]  }
0xff: {  	v25 =	vld [tilespmem:s24+$0x140];
	v11 =	vperm.xlane v27, v2;
	v23 =	vsub.f32 v28, v23;
	v14 =	vsub.f32 v26, v14  }
0x100: {  	v33 =	vld [tilespmem:s24+$0x150];
	v21 =	vsub.f32 v28, v21;
	v22 =	vsub.f32 v29, v22  }
0x101: {  	v35 =	vld [tilespmem:s24+$0x160];
	v11 =	vadd.f32 v27, v11;
	v23 =	vmul.f32 v23, v23;
	v27 =	vmul.f32 v14, v14  }
0x102: {  	v55 =	vld [tilespmem:s20+$0x30];
	v18 =	vsub.f32 v29, v18;
	v14 =	vsub.f32 v26, v20;
	v20 =	vmul.f32 v22, v22  }
0x103: {  	v42 =	vld [tilespmem:s24+$0x530];
	v26 =	vmul.f32 v23, v23;
	v34 =	vmul.f32 v27, v27;
	v32 =	vsub.f32 v19, v32  }
0x104: {  	v28 =	vperm.xlane v24, v2;
	v36 =	vsub.f32 v37, v36;
	v22 =	vld [tilespmem:s20+$0xFFFFFFE0];
	v31 =	vsub.f32 v25, v31  }
0x105: {  	v49 =	vmul.f32 v20, v20;
	v26 =	vadd.f32 v34, v26;
	v32 =	vmul.f32 v32, v32  }
0x106: {  	v50 =	vld [tilespmem:s20+$0x0];
	v29 =	vmul.f32 v14, v14;
	v14 =	vadd.f32 v28, v24;
	v28 =	vsub.f32 v33, v48  }
0x107: {  	v38 =	vld [tilespmem:s24+$0x500];
	v31 =	vmul.f32 v31, v31;
	v26 =	vadd.f32 v49, v26;
	v51 =	vmul.f32 v32, v32  }
0x108: {  	v40 =	vld [tilespmem:s24+$0x510];
	v30 =	vsub.f32 v42, v55;
	v16 =	vsub.f32 v19, v16;
	v28 =	vmul.f32 v28, v28  }
0x109: {  	v53 =	vld [tilespmem:s20+$0x20];
	v19 =	vsub.f32 v35, v22;
	v52 =	vmul.f32 v31, v31;
	v26 =	vadd.f32 v51, v26  }
0x10a: {  	v9 =	vsub.f32 v33, v9;
	v21 =	vmul.f32 v21, v21;
	v36 =	vmul.f32 v36, v36;
	v22 =	vld [tilespmem:s20+$0x10]  }
0x10b: {  	v41 =	vld [tilespmem:s24+$0x520];
	v54 =	vmul.f32 v28, v28;
	v19 =	vmul.f32 v19, v19;
	v26 =	vadd.f32 v52, v26  }
0x10c: {  	v24 =	vmul.f32 v21, v21;
	v39 =	vmul.f32 v29, v29;
	v21 =	vadd.f32 v29, v21  }
0x10d: {  	v29 =	vsub.f32 v38, v50;
	v56 =	vmul.f32 v19, v19;
	v26 =	vadd.f32 v54, v26  }
0x10e: {  	v43 =	vld [tilespmem:s24+$0x540];
	v18 =	vmul.f32 v18, v18;
	v12 =	vsub.f32 v25, v12;
	v57 =	vmul.f32 v36, v36  }
0x10f: {  	v58 =	vld [tilespmem:s20+$0x50];
	v29 =	vmul.f32 v29, v29;
	v22 =	vsub.f32 v40, v22;
	v26 =	vadd.f32 v56, v26  }
0x110: {  	v30 =	vmul.f32 v30, v30;
	v25 =	vsub.f32 v41, v53;
	v23 =	vadd.f32 v27, v23;
	v27 =	vld [tilespmem:s20+$0x40]  }
0x111: {  	v45 =	vld [tilespmem:s24+$0x550];
	v59 =	vmul.f32 v29, v29;
	v22 =	vmul.f32 v22, v22;
	v26 =	vadd.f32 v57, v26  }
0x112: {  	v60 =	vld [tilespmem:s20+$0x60];
	v9 =	vmul.f32 v9, v9;
	v25 =	vmul.f32 v25, v25  }
0x113: {  	v46 =	vld [tilespmem:s24+$0x560];
	v20 =	vadd.f32 v20, v23;
	v61 =	vmul.f32 v22, v22;
	v26 =	vadd.f32 v59, v26  }
0x114: {  	v44 =	vmul.f32 v18, v18;
	v24 =	vadd.f32 v39, v24;
	v18 =	vadd.f32 v18, v21  }
0x115: {  	v21 =	vsub.f32 v43, v27;
	v27 =	vmul.f32 v25, v25;
	v26 =	vadd.f32 v61, v26  }
0x116: {  	v47 =	vld [tilespmem:s24+$0x570];
	v12 =	vmul.f32 v12, v12;
	v39 =	vsub.f32 v45, v58;
	v20 =	vadd.f32 v32, v20  }
0x117: {  	v23 =	vld [tilespmem:s20+$0x70];
	v21 =	vmul.f32 v21, v21;
	v26 =	vadd.f32 v27, v26;
	v27 =	vmul.f32 v30, v30  }
0x118: {  	v63 =	vld [tilespmem:s19+$0xFFFFFFE0];
	v16 =	vmul.f32 v16, v16;
	v24 =	vadd.f32 v44, v24;
	v44 =	vsub.f32 v46, v60  }
0x119: {  	v39 =	vmul.f32 v39, v39;
	v26 =	vadd.f32 v27, v26;
	v27 =	vmul.f32 v21, v21  }
0x11a: {  	v62 =	vmul.f32 v16, v16;
	v16 =	vadd.f32 v16, v18;
	v20 =	vadd.f32 v31, v20  }
0x11b: {  	v18 =	vld [tilespmem:s19+$0xFFFFFFF0];
	v51 =	vmul.f32 v44, v44;
	v26 =	vadd.f32 v27, v26;
	v27 =	vmul.f32 v39, v39  }
0x11c: {  	v53 =	vld [tilespmem:s19+$0x0];
	v48 =	vmul.f32 v12, v12;
	v23 =	vsub.f32 v47, v23;
	v24 =	vadd.f32 v62, v24  }
0x11d: {  	v52 =	vsub.f32 v35, v63;
	v26 =	vadd.f32 v27, v26;
	v27 =	vmul.f32 v51, v51  }
0x11e: {  	v12 =	vadd.f32 v12, v16;
	v20 =	vadd.f32 v28, v20;
	v23 =	vmul.f32 v23, v23  }
0x11f: {  	v54 =	vmul.f32 v9, v9;
	v16 =	vadd.f32 v48, v24;
	v24 =	vadd.f32 v27, v26;
	v26 =	vld [tilespmem:s19+$0x10]  }
0x120: {  	v28 =	vld [tilespmem:s19+$0x20];
	v9 =	vadd.f32 v9, v12;
	v18 =	vsub.f32 v37, v18;
	v27 =	vmul.f32 v52, v52  }
0x121: {  	v55 =	vsub.f32 v38, v53;
	v19 =	vadd.f32 v19, v20;
	v12 =	vmul.f32 v23, v23  }
0x122: {  	v20 =	vld [tilespmem:s19+$0x30];
	v16 =	vadd.f32 v54, v16;
	v18 =	vmul.f32 v18, v18;
	v9 =	vadd.f32 v27, v9  }
0x123: {  	v19 =	vadd.f32 v36, v19;
	v27 =	vmul.f32 v27, v27;
	v12 =	vadd.f32 v12, v24  }
0x124: {  	v24 =	vmul.f32 v55, v55;
	v9 =	vadd.f32 v18, v9;
	v26 =	vsub.f32 v40, v26  }
0x125: {  	v28 =	vsub.f32 v41, v28;
	v16 =	vadd.f32 v27, v16;
	v18 =	vmul.f32 v18, v18  }
0x126: {  	v19 =	vadd.f32 v29, v19;
	v27 =	vld [tilespmem:s19+$0x40];
	v9 =	vadd.f32 v24, v9;
	v26 =	vmul.f32 v26, v26  }
0x127: {  	v20 =	vsub.f32 v42, v20;
	v16 =	vadd.f32 v18, v16;
	v18 =	vmul.f32 v24, v24;
	v24 =	vld [tilespmem:s19+$0x50]  }
0x128: {  	v28 =	vmul.f32 v28, v28;
	v19 =	vadd.f32 v22, v19;
	v9 =	vadd.f32 v26, v9  }
0x129: {  	v16 =	vadd.f32 v18, v16;
	v18 =	vmul.f32 v26, v26;
	v26 =	vld [tilespmem:s19+$0x60]  }
0x12a: {  	v20 =	vmul.f32 v20, v20;
	v19 =	vadd.f32 v25, v19;
	v9 =	vadd.f32 v28, v9  }
0x12b: {  	v25 =	vld [tilespmem:s19+$0x70];
	v22 =	vsub.f32 v43, v27;
	v16 =	vadd.f32 v18, v16;
	v18 =	vmul.f32 v28, v28  }
0x12c: {  	v5 =	vsel vm0, v17, v5;
	v24 =	vsub.f32 v45, v24;
	v9 =	vadd.f32 v20, v9  }
0x12d: {  	v22 =	vmul.f32 v22, v22;
	v16 =	vadd.f32 v18, v16;
	v18 =	vadd.f32 v30, v19  }
0x12e: {  	v19 =	vmul.f32 v20, v20;
	v20 =	vmul.f32 v24, v24;
	v26 =	vsub.f32 v46, v26  }
0x12f: {  	v24 =	vperm.xlane v12, v1;
	v9 =	vadd.f32 v22, v9;
	v18 =	vadd.f32 v21, v18  }
0x130: {  	v16 =	vadd.f32 v19, v16;
	v19 =	vmul.f32 v22, v22;
	v22 =	vsub.f32 v47, v25  }
0x131: {  	v21 =	vmul.f32 v26, v26;
	v9 =	vadd.f32 v20, v9;
	v18 =	vadd.f32 v39, v18  }
0x132: {  	v12 =	vadd.f32 v24, v12;
	v16 =	vadd.f32 v19, v16;
	v19 =	vmul.f32 v20, v20  }
0x133: {  	v20 =	vmul.f32 v22, v22;
	v9 =	vadd.f32 v21, v9;
	v18 =	vadd.f32 v51, v18  }
0x134: {  	v8 =	vsel vm0, v15, v8;
	v16 =	vadd.f32 v19, v16;
	v19 =	vmul.f32 v21, v21  }
0x135: {  	v22 =	vperm.xlane v12, v2;
	v9 =	vadd.f32 v20, v9;
	v17 =	vadd.f32 v23, v18  }
0x136: {  	v7 =	vsel vm0, v13, v7;
	v16 =	vadd.f32 v19, v16;
	v18 =	vmul.f32 v20, v20  }
0x137: {  	v12 =	vadd.f32 v22, v12;
	v15 =	vperm.xlane v9, v1;
	v19 =	vperm.xlane v17, v1  }
0x138: {  	vm0 =	vmmov vm1;
	v27 =	vperm.xlane v10, v2;
	v16 =	vadd.f32 v18, v16  }
0x139: {  	v21 =	vperm.xlane v12, v3;
	v9 =	vadd.f32 v9, v15;
	v15 =	vadd.f32 v19, v17  }
0x13a: {  	v10 =	vadd.f32 v27, v10;
	v18 =	vperm.xlane v11, v3;
	v13 =	vperm.xlane v16, v1  }
0x13b: {  	v12 =	vadd.f32 v21, v12;
	v17 =	vperm.xlane v9, v2;
	v19 =	vperm.xlane v15, v2  }
0x13c: {  	v20 =	vperm.xlane v14, v3;
	v11 =	vadd.f32 v11, v18;
	v13 =	vadd.f32 v13, v16  }
0x13d: {  	v21 =	vperm.xlane v12, v4;
	v9 =	vadd.f32 v9, v17;
	v15 =	vadd.f32 v19, v15  }
0x13e: {  	v16 =	vmov s18;
	v17 =	vperm.xlane v10, v3;
	v19 =	vperm.xlane v13, v2  }
0x13f: {  	v12 =	vadd.f32 v21, v12;
	v18 =	vperm.xlane v9, v3;
	v21 =	vperm.xlane v15, v3  }
0x140: {  	vm1 =	veq.s32 v16, v0;
	v10 =	vadd.f32 v17, v10;
	v13 =	vadd.f32 v19, v13  }
0x141: {  	v16 =	vperm.xlane v11, v4;
	v9 =	vadd.f32 v9, v18;
	v15 =	vadd.f32 v21, v15  }
0x142: {  	v14 =	vadd.f32 v20, v14;
	v19 =	vld [tilespmem:$0x0];
	v17 =	vperm.xlane v10, v4;
	v18 =	vperm.xlane v13, v3  }
0x143: {  	v11 =	vadd.f32 v11, v16;
	v21 =	vld [tilespmem:$0x80];
	v16 =	vperm.xlane v9, v4;
	v20 =	vperm.xlane v15, v4  }
0x144: {  	v22 =	vperm.xlane v14, v4;
	v10 =	vadd.f32 v17, v10;
	v13 =	vadd.f32 v18, v13  }
0x145: {  	v8 =	vsel vm0, v11, v8;
	v9 =	vadd.f32 v9, v16;
	v11 =	vadd.f32 v20, v15  }
0x146: {  	vm2 =	vmmov vm1;
	v7 =	vsel vm0, v10, v7;
	v10 =	vperm.xlane v13, v4  }
0x147: {  	v14 =	vadd.f32 v22, v14;
	v8 =	vsel vm2, v9, v8;
	v7 =	vsel vm2, v11, v7  }
0x148: {  	vm4 =	vlt.s32 v21, v19;
	v9 =	vadd.f32 v10, v13;
	vm3 =	veq.f32 v7, v8  }
0x149: {  	v5 =	vsel vm0, v14, v5;
	vm0 =	vmand vm3, vm4;
	vm3 =	vlt.f32 v7, v8  }
0x14a: {  	v6 =	vsel vm1, v12, v6;
	v5 =	vsel vm2, v9, v5;
	vm0 =	vmor vm3, vm0  }
0x14b: {  	v5 =	vsel vm0, v6, v5  }
0x14c: {  	s23 =	simm.s32 $0x31F0;
	[tilespmem:$0x6100] =	vst v5  }
0x14d: {  	v5 =	vld [tilespmem:s23+$0xFFFFFF60]  }
0x14e: {  	v6 =	vld [tilespmem:s23+$0xFFFFFF50]  }
0x14f: {  	v7 =	vld [tilespmem:s23+$0xFFFFFF40]  }
0x150: {  	v8 =	vld [tilespmem:s23+$0xFFFFFF30]  }
0x151: {  	v9 =	vld [tilespmem:s23+$0xFFFFFF10]  }
0x152: {  	s24 =	simm.s32 $0x51F0;
	v10 =	vld [tilespmem:s23+$0xFFFFFF20]  }
0x153: {  	s21 =	simm.s32 $0x1000;
	s25 =	simm.s32 $0x0;
	v11 =	vld [tilespmem:s24+$0xFFFFFF30]  }
0x154: {  	s21 =	sand.u32 $0x1800, s21;
	s22 =	sand.u32 $0x380, s25;
	v12 =	vld [tilespmem:s24+$0xFFFFFF10]  }
0x155: {  	s21 =	sor.u32 s22, s21;
	v13 =	vld [tilespmem:s24+$0xFFFFFF20]  }
0x156: {  	v14 =	vld [tilespmem:s21+$0x100]  }
0x157: {  	v15 =	vld [tilespmem:s21+$0x110]  }
0x158: {  	v16 =	vld [tilespmem:s21+$0x120]  }
0x159: {  	v17 =	vld [tilespmem:s24+$0xFFFFFF50]  }
0x15a: {  	v18 =	vld [tilespmem:s24+$0xFFFFFF40]  }
0x15b: {  	v19 =	vld [tilespmem:s21+$0x130]  }
0x15c: {  	v20 =	vld [tilespmem:s24+$0xFFFFFF60]  }
0x15d: {  	v21 =	vld [tilespmem:s21+$0x150];
	v9 =	vsub.f32 v14, v9  }
0x15e: {  	v60 =	vld [tilespmem:s24+$0xFFFFFFE0];
	v12 =	vsub.f32 v14, v12;
	v13 =	vsub.f32 v15, v13  }
0x15f: {  	v14 =	vld [tilespmem:s21+$0x140];
	v11 =	vsub.f32 v16, v11;
	v10 =	vsub.f32 v15, v10  }
0x160: {  	v61 =	vld [tilespmem:s21+$0x550];
	v8 =	vsub.f32 v16, v8;
	v12 =	vmul.f32 v12, v12;
	v13 =	vmul.f32 v13, v13  }
0x161: {  	v23 =	vld [tilespmem:s21+$0x160];
	v18 =	vsub.f32 v19, v18;
	v7 =	vsub.f32 v19, v7;
	v11 =	vmul.f32 v11, v11  }
0x162: {  	v25 =	vld [tilespmem:s24+$0xFFFFFF80];
	v19 =	vsub.f32 v21, v20;
	v16 =	vmul.f32 v12, v12;
	v22 =	vmul.f32 v13, v13  }
0x163: {  	v15 =	vld [tilespmem:s24+$0xFFFFFF70];
	v5 =	vsub.f32 v21, v5;
	v9 =	vmul.f32 v9, v9;
	v18 =	vmul.f32 v18, v18  }
0x164: {  	v26 =	vld [tilespmem:s21+$0x170];
	v17 =	vsub.f32 v14, v17;
	v16 =	vadd.f32 v22, v16;
	v22 =	vmul.f32 v11, v11  }
0x165: {  	v28 =	vld [tilespmem:s21+$0x500];
	v21 =	vsub.f32 v61, v60;
	v10 =	vmul.f32 v10, v10;
	v19 =	vmul.f32 v19, v19  }
0x166: {  	v20 =	vld [tilespmem:s24+$0xFFFFFF90];
	v17 =	vmul.f32 v17, v17;
	v16 =	vadd.f32 v22, v16;
	v22 =	vmul.f32 v18, v18  }
0x167: {  	v29 =	vld [tilespmem:s21+$0x510];
	v24 =	vmul.f32 v9, v9;
	v27 =	vmul.f32 v10, v10;
	v9 =	vadd.f32 v10, v9  }
0x168: {  	v56 =	vld [tilespmem:s21+$0x520];
	v15 =	vsub.f32 v23, v15;
	v16 =	vadd.f32 v22, v16;
	v22 =	vmul.f32 v17, v17  }
0x169: {  	v10 =	vsub.f32 v26, v25;
	v24 =	vadd.f32 v27, v24;
	v27 =	vld [tilespmem:s24+$0xFFFFFFA0]  }
0x16a: {  	v25 =	vld [tilespmem:s24+$0xFFFFFFB0];
	v15 =	vmul.f32 v15, v15;
	v16 =	vadd.f32 v22, v16;
	v22 =	vmul.f32 v19, v19  }
0x16b: {  	v57 =	vld [tilespmem:s21+$0x530];
	v12 =	vadd.f32 v13, v12;
	v13 =	vsub.f32 v28, v20  }
0x16c: {  	v20 =	vld [tilespmem:s24+$0xFFFFFFC0];
	v10 =	vmul.f32 v10, v10;
	v16 =	vadd.f32 v22, v16;
	v22 =	vmul.f32 v15, v15  }
0x16d: {  	v8 =	vmul.f32 v8, v8;
	v6 =	vsub.f32 v14, v6;
	v13 =	vmul.f32 v13, v13  }
0x16e: {  	v59 =	vld [tilespmem:s21+$0x540];
	v14 =	vsub.f32 v29, v27;
	v16 =	vadd.f32 v22, v16;
	v22 =	vmul.f32 v10, v10  }
0x16f: {  	v7 =	vmul.f32 v7, v7;
	v21 =	vmul.f32 v21, v21;
	v25 =	vsub.f32 v56, v25;
	v27 =	vld [tilespmem:s24+$0xFFFFFFD0]  }
0x170: {  	v14 =	vmul.f32 v14, v14;
	v16 =	vadd.f32 v22, v16;
	v22 =	vmul.f32 v13, v13  }
0x171: {  	v62 =	vld [tilespmem:s21+$0x560];
	v58 =	vmul.f32 v8, v8;
	v8 =	vadd.f32 v8, v9;
	v9 =	vsub.f32 v57, v20  }
0x172: {  	v20 =	vld [tilespmem:s24+$0xFFFFFFF0];
	v25 =	vmul.f32 v25, v25;
	v16 =	vadd.f32 v22, v16;
	v22 =	vmul.f32 v14, v14  }
0x173: {  	v41 =	vld [tilespmem:s23+$0xFFFFFF70];
	v5 =	vmul.f32 v5, v5;
	v11 =	vadd.f32 v11, v12;
	v9 =	vmul.f32 v9, v9  }
0x174: {  	v40 =	vld [tilespmem:s21+$0x570];
	v12 =	vsub.f32 v59, v27;
	v16 =	vadd.f32 v22, v16;
	v22 =	vmul.f32 v25, v25  }
0x175: {  	v63 =	vmul.f32 v7, v7;
	v24 =	vadd.f32 v58, v24;
	v7 =	vadd.f32 v7, v8;
	v27 =	vld [tilespmem:s24+$0x0]  }
0x176: {  	v12 =	vmul.f32 v12, v12;
	v16 =	vadd.f32 v22, v16;
	v22 =	vmul.f32 v9, v9  }
0x177: {  	v6 =	vmul.f32 v6, v6;
	v11 =	vadd.f32 v18, v11;
	v20 =	vsub.f32 v62, v20  }
0x178: {  	v18 =	vsub.f32 v23, v41;
	v16 =	vadd.f32 v22, v16;
	v22 =	vmul.f32 v12, v12  }
0x179: {  	v24 =	vadd.f32 v63, v24;
	v11 =	vadd.f32 v17, v11;
	v20 =	vmul.f32 v20, v20  }
0x17a: {  	v8 =	vsub.f32 v40, v27;
	v27 =	vld [tilespmem:s23+$0xFFFFFF80];
	v16 =	vadd.f32 v22, v16;
	v22 =	vmul.f32 v21, v21  }
0x17b: {  	v42 =	vmul.f32 v6, v6;
	v6 =	vadd.f32 v6, v7;
	v11 =	vadd.f32 v19, v11  }
0x17c: {  	v23 =	vld [tilespmem:s23+$0xFFFFFF90];
	v8 =	vmul.f32 v8, v8;
	v16 =	vadd.f32 v22, v16;
	v22 =	vmul.f32 v20, v20  }
0x17d: {  	v43 =	vmul.f32 v5, v5;
	v7 =	vadd.f32 v42, v24;
	v5 =	vadd.f32 v5, v6  }
0x17e: {  	v11 =	vadd.f32 v15, v11;
	v17 =	vmul.f32 v8, v8;
	v16 =	vadd.f32 v22, v16  }
0x17f: {  	v18 =	vmul.f32 v18, v18;
	v24 =	vld [tilespmem:s23+$0xFFFFFFA0];
	v7 =	vadd.f32 v43, v7;
	v22 =	vsub.f32 v26, v27  }
0x180: {  	v10 =	vadd.f32 v10, v11;
	v6 =	vadd.f32 v17, v16  }
0x181: {  	v26 =	vmul.f32 v18, v18;
	v16 =	vmul.f32 v22, v22;
	v17 =	vsub.f32 v28, v23  }
0x182: {  	v5 =	vadd.f32 v18, v5;
	v10 =	vadd.f32 v13, v10;
	v18 =	vld [tilespmem:s23+$0xFFFFFFB0];
	v19 =	vperm.xlane v6, v1  }
0x183: {  	v7 =	vadd.f32 v26, v7;
	v15 =	vmul.f32 v16, v16;
	v17 =	vmul.f32 v17, v17  }
0x184: {  	v22 =	vsub.f32 v29, v24;
	v23 =	vld [tilespmem:s23+$0xFFFFFFC0];
	v5 =	vadd.f32 v16, v5  }
0x185: {  	v6 =	vadd.f32 v19, v6;
	v7 =	vadd.f32 v15, v7;
	v15 =	vmul.f32 v17, v17;
	v19 =	vld [tilespmem:s23+$0xFFFFFFD0]  }
0x186: {  	v10 =	vadd.f32 v14, v10;
	v11 =	vmul.f32 v22, v22;
	v5 =	vadd.f32 v17, v5  }
0x187: {  	v14 =	vld [tilespmem:s23+$0x0];
	v16 =	vperm.xlane v6, v2;
	v7 =	vadd.f32 v15, v7;
	v15 =	vsub.f32 v56, v18  }
0x188: {  	v17 =	vmul.f32 v11, v11;
	v5 =	vadd.f32 v11, v5  }
0x189: {  	v6 =	vadd.f32 v16, v6;
	v13 =	vmul.f32 v15, v15;
	v15 =	vsub.f32 v57, v23;
	v16 =	vld [tilespmem:s23+$0xFFFFFFE0]  }
0x18a: {  	v7 =	vadd.f32 v17, v7;
	v17 =	vsub.f32 v59, v19  }
0x18b: {  	v18 =	vld [tilespmem:s23+$0xFFFFFFF0];
	v11 =	vmul.f32 v13, v13;
	v15 =	vmul.f32 v15, v15  }
0x18c: {  	s28 =	simm.s32 $0x52F0;
	v14 =	vsub.f32 v40, v14;
	v5 =	vadd.f32 v13, v5;
	v13 =	vmul.f32 v17, v17  }
0x18d: {  	s29 =	simm.s32 $0x1100;
	s30 =	simm.s32 $0x80;
	v45 =	vld [tilespmem:s28+$0xFFFFFFA0];
	v17 =	vadd.f32 v25, v10;
	v7 =	vadd.f32 v11, v7;
	v11 =	vmul.f32 v15, v15  }
0x18e: {  	s22 =	sand.u32 $0x380, s30;
	v50 =	vld [tilespmem:s28+$0xFFFFFFD0];
	s21 =	sand.u32 $0x1800, s29;
	v5 =	vadd.f32 v15, v5;
	v16 =	vsub.f32 v61, v16  }
0x18f: {  	v53 =	vld [tilespmem:s28+$0xFFFFFFE0];
	s21 =	sor.u32 s22, s21;
	v9 =	vadd.f32 v9, v17;
	v7 =	vadd.f32 v11, v7  }
0x190: {  	v30 =	vld [tilespmem:s21+$0x170];
	v11 =	vmul.f32 v13, v13;
	v15 =	vmul.f32 v16, v16;
	v16 =	vsub.f32 v62, v18  }
0x191: {  	v29 =	vld [tilespmem:s21+$0x160];
	v19 =	vperm.xlane v6, v3;
	v5 =	vadd.f32 v13, v5;
	v9 =	vadd.f32 v12, v9  }
0x192: {  	v23 =	vld [tilespmem:s21+$0x120];
	v7 =	vadd.f32 v11, v7;
	v13 =	vmul.f32 v15, v15;
	v16 =	vmul.f32 v16, v16  }
0x193: {  	v14 =	vmul.f32 v14, v14;
	v25 =	vld [tilespmem:s28+$0xFFFFFF50];
	v6 =	vadd.f32 v19, v6;
	v5 =	vadd.f32 v15, v5  }
0x194: {  	s26 =	simm.s32 $0x32F0;
	v19 =	vld [tilespmem:s21+$0x110];
	v9 =	vadd.f32 v21, v9;
	v7 =	vadd.f32 v13, v7;
	v13 =	vmul.f32 v16, v16  }
0x195: {  	v18 =	vld [tilespmem:s26+$0xFFFFFF30];
	v5 =	vadd.f32 v16, v5  }
0x196: {  	v12 =	vld [tilespmem:s26+$0xFFFFFF10];
	v9 =	vadd.f32 v20, v9;
	v7 =	vadd.f32 v13, v7;
	v13 =	vmul.f32 v14, v14  }
0x197: {  	v21 =	vld [tilespmem:s28+$0xFFFFFF10];
	v5 =	vadd.f32 v14, v5  }
0x198: {  	v8 =	vadd.f32 v8, v9;
	v7 =	vadd.f32 v13, v7;
	v13 =	vld [tilespmem:s21+$0x100]  }
0x199: {  	v14 =	vld [tilespmem:s28+$0xFFFFFF20];
	v9 =	vperm.xlane v5, v1  }
0x19a: {  	v15 =	vld [tilespmem:s26+$0xFFFFFF20];
	v20 =	vperm.xlane v6, v4;
	v24 =	vperm.xlane v8, v1  }
0x19b: {  	v16 =	vld [tilespmem:s28+$0xFFFFFF30];
	v22 =	vperm.xlane v7, v1;
	v5 =	vadd.f32 v5, v9  }
0x19c: {  	v11 =	vld [tilespmem:s26+$0xFFFFFF40];
	v9 =	vadd.f32 v20, v6;
	v6 =	vadd.f32 v24, v8  }
0x19d: {  	v20 =	vadd.f32 v22, v7;
	v22 =	vld [tilespmem:s28+$0xFFFFFF40];
	v8 =	vsub.f32 v13, v12  }
0x19e: {  	v14 =	vsub.f32 v19, v14;
	v7 =	vperm.xlane v5, v2;
	v12 =	vld [tilespmem:s21+$0x130];
	v13 =	vsub.f32 v13, v21  }
0x19f: {  	v21 =	vld [tilespmem:s21+$0x140];
	v24 =	vperm.xlane v20, v2;
	v26 =	vmul.f32 v8, v8;
	v8 =	vsub.f32 v19, v15  }
0x1a0: {  	v7 =	vadd.f32 v5, v7;
	v15 =	vsub.f32 v23, v16;
	v16 =	vld [tilespmem:s28+$0xFFFFFF60];
	v5 =	vmul.f32 v13, v13  }
0x1a1: {  	v55 =	vmov s25;
	v13 =	vmul.f32 v14, v14;
	v14 =	vld [tilespmem:s21+$0x150];
	v19 =	vmul.f32 v8, v8  }
0x1a2: {  	v17 =	vld [tilespmem:s26+$0xFFFFFF50];
	v18 =	vsub.f32 v23, v18;
	v15 =	vmul.f32 v15, v15;
	v27 =	vmul.f32 v5, v5  }
0x1a3: {  	v23 =	vld [tilespmem:s28+$0xFFFFFF70];
	v28 =	vmul.f32 v13, v13;
	v8 =	vadd.f32 v24, v20;
	v22 =	vsub.f32 v12, v22  }
0x1a4: {  	vm0 =	veq.s32 v55, v0;
	v32 =	vld [tilespmem:s21+$0x500];
	v13 =	vadd.f32 v13, v5;
	v24 =	vsub.f32 v21, v25  }
0x1a5: {  	v46 =	vld [tilespmem:s21+$0x510];
	v27 =	vadd.f32 v28, v27;
	v28 =	vmul.f32 v15, v15;
	v22 =	vmul.f32 v22, v22  }
0x1a6: {  	v18 =	vmul.f32 v18, v18;
	v25 =	vld [tilespmem:s28+$0xFFFFFF80];
	v11 =	vsub.f32 v12, v11;
	v12 =	vsub.f32 v14, v16  }
0x1a7: {  	v16 =	vld [tilespmem:s28+$0xFFFFFF90];
	v24 =	vmul.f32 v24, v24;
	v27 =	vadd.f32 v28, v27;
	v28 =	vmul.f32 v22, v22  }
0x1a8: {  	v47 =	vld [tilespmem:s21+$0x520];
	v20 =	vmul.f32 v26, v26;
	v17 =	vsub.f32 v21, v17;
	v23 =	vsub.f32 v29, v23  }
0x1a9: {  	v52 =	vld [tilespmem:s21+$0x540];
	v12 =	vmul.f32 v12, v12;
	v27 =	vadd.f32 v28, v27;
	v28 =	vmul.f32 v24, v24  }
0x1aa: {  	v10 =	vld [tilespmem:s26+$0xFFFFFF60];
	v44 =	vmul.f32 v19, v19;
	v19 =	vadd.f32 v19, v26;
	v23 =	vmul.f32 v23, v23  }
0x1ab: {  	v26 =	vld [tilespmem:s28+$0xFFFFFFB0];
	v25 =	vsub.f32 v30, v25;
	v27 =	vadd.f32 v28, v27;
	v28 =	vmul.f32 v12, v12  }
0x1ac: {  	v54 =	vld [tilespmem:s21+$0x550];
	v49 =	vmul.f32 v18, v18;
	v21 =	vsub.f32 v46, v45;
	v5 =	vsub.f32 v32, v16  }
0x1ad: {  	v48 =	vld [tilespmem:s21+$0x530];
	v25 =	vmul.f32 v25, v25;
	v27 =	vadd.f32 v28, v27;
	v28 =	vmul.f32 v23, v23  }
0x1ae: {  	v13 =	vadd.f32 v15, v13;
	v15 =	vsub.f32 v52, v50;
	v21 =	vmul.f32 v21, v21;
	v16 =	vld [tilespmem:s28+$0xFFFFFFC0]  }
0x1af: {  	v51 =	vmul.f32 v5, v5;
	v27 =	vadd.f32 v28, v27;
	v28 =	vmul.f32 v25, v25  }
0x1b0: {  	v60 =	vld [tilespmem:s26+$0xFFFFFF70];
	v11 =	vmul.f32 v11, v11;
	v10 =	vsub.f32 v14, v10;
	v26 =	vsub.f32 v47, v26  }
0x1b1: {  	v58 =	vld [tilespmem:s21+$0x570];
	v14 =	vsub.f32 v54, v53;
	v27 =	vadd.f32 v28, v27;
	v28 =	vmul.f32 v51, v51  }
0x1b2: {  	v56 =	vld [tilespmem:s21+$0x560];
	v17 =	vmul.f32 v17, v17;
	v20 =	vadd.f32 v44, v20;
	v26 =	vmul.f32 v26, v26  }
0x1b3: {  	v57 =	vld [tilespmem:s28+$0x0];
	v16 =	vsub.f32 v48, v16;
	v27 =	vadd.f32 v28, v27;
	v28 =	vmul.f32 v21, v21  }
0x1b4: {  	v18 =	vadd.f32 v18, v19;
	v19 =	vld [tilespmem:s28+$0xFFFFFFF0];
	v15 =	vmul.f32 v15, v15;
	v59 =	vmul.f32 v11, v11  }
0x1b5: {  	v16 =	vmul.f32 v16, v16;
	v27 =	vadd.f32 v28, v27;
	v28 =	vmul.f32 v26, v26  }
0x1b6: {  	v14 =	vmul.f32 v14, v14;
	v13 =	vadd.f32 v22, v13;
	v22 =	vsub.f32 v29, v60  }
0x1b7: {  	v20 =	vadd.f32 v49, v20;
	v27 =	vadd.f32 v28, v27;
	v28 =	vmul.f32 v16, v16  }
0x1b8: {  	v61 =	vmul.f32 v17, v17;
	v11 =	vadd.f32 v11, v18;
	v18 =	vsub.f32 v58, v57  }
0x1b9: {  	v19 =	vsub.f32 v56, v19;
	v27 =	vadd.f32 v28, v27;
	v28 =	vmul.f32 v15, v15  }
0x1ba: {  	v10 =	vmul.f32 v10, v10;
	v13 =	vadd.f32 v24, v13;
	v20 =	vadd.f32 v59, v20  }
0x1bb: {  	v62 =	vld [tilespmem:s26+$0xFFFFFF80];
	v19 =	vmul.f32 v19, v19;
	v27 =	vadd.f32 v28, v27;
	v28 =	vmul.f32 v14, v14  }
0x1bc: {  	v63 =	vmul.f32 v18, v18;
	v18 =	vmul.f32 v10, v10;
	v11 =	vadd.f32 v17, v11  }
0x1bd: {  	v29 =	vld [tilespmem:s26+$0xFFFFFF90];
	v17 =	vadd.f32 v61, v20;
	v27 =	vadd.f32 v28, v27;
	v28 =	vmul.f32 v19, v19  }
0x1be: {  	v22 =	vmul.f32 v22, v22;
	v12 =	vadd.f32 v12, v13;
	v13 =	vld [tilespmem:s26+$0xFFFFFFB0];
	v10 =	vadd.f32 v10, v11  }
0x1bf: {  	v24 =	vmul.f32 v63, v63;
	v17 =	vadd.f32 v18, v17;
	v20 =	vadd.f32 v28, v27  }
0x1c0: {  	v5 =	vimm.f32 $0.0e+00;
	v18 =	vsub.f32 v30, v62;
	v10 =	vadd.f32 v22, v10;
	v27 =	vld [tilespmem:s26+$0xFFFFFFA0]  }
0x1c1: {  	v28 =	vsel vm0, v9, v5;
	v9 =	vadd.f32 v23, v12;
	v11 =	vadd.f32 v24, v20  }
0x1c2: {  	v18 =	vmul.f32 v18, v18;
	v20 =	vmul.f32 v22, v22;
	v24 =	vsub.f32 v32, v29  }
0x1c3: {  	v13 =	vsub.f32 v47, v13;
	v12 =	vld [tilespmem:s26+$0xFFFFFFC0];
	v9 =	vadd.f32 v25, v9;
	v22 =	vperm.xlane v11, v1  }
0x1c4: {  	v17 =	vadd.f32 v20, v17;
	v20 =	vmul.f32 v18, v18;
	v24 =	vmul.f32 v24, v24  }
0x1c5: {  	v11 =	vadd.f32 v22, v11;
	v22 =	vsub.f32 v46, v27  }
0x1c6: {  	v10 =	vadd.f32 v18, v10;
	v17 =	vadd.f32 v20, v17;
	v20 =	vmul.f32 v24, v24  }
0x1c7: {  	v23 =	vld [tilespmem:s26+$0xFFFFFFD0];
	v9 =	vadd.f32 v51, v9;
	v18 =	vperm.xlane v11, v2;
	v22 =	vmul.f32 v22, v22  }
0x1c8: {  	v13 =	vmul.f32 v13, v13;
	v12 =	vsub.f32 v48, v12;
	v10 =	vadd.f32 v24, v10  }
0x1c9: {  	v17 =	vadd.f32 v20, v17;
	v11 =	vadd.f32 v18, v11;
	v18 =	vmul.f32 v22, v22  }
0x1ca: {  	v9 =	vadd.f32 v21, v9;
	v12 =	vmul.f32 v12, v12;
	v10 =	vadd.f32 v22, v10  }
0x1cb: {  	v22 =	vld [tilespmem:s26+$0xFFFFFFE0];
	v24 =	vperm.xlane v11, v3;
	v17 =	vadd.f32 v18, v17;
	v18 =	vmul.f32 v13, v13  }
0x1cc: {  	vm0 =	vmmov vm0;
	v21 =	vsub.f32 v52, v23;
	v10 =	vadd.f32 v13, v10  }
0x1cd: {  	v23 =	vld [tilespmem:s26+$0xFFFFFFF0];
	v11 =	vadd.f32 v24, v11;
	v17 =	vadd.f32 v18, v17;
	v18 =	vmul.f32 v12, v12  }
0x1ce: {  	v25 =	vperm.xlane v8, v3;
	v21 =	vmul.f32 v21, v21;
	v10 =	vadd.f32 v12, v10  }
0x1cf: {  	v9 =	vadd.f32 v26, v9;
	v13 =	vperm.xlane v11, v4;
	v17 =	vadd.f32 v18, v17  }
0x1d0: {  	v20 =	vperm.xlane v6, v2;
	v18 =	vsub.f32 v54, v22;
	v22 =	vld [tilespmem:s26+$0x0];
	v10 =	vadd.f32 v21, v10  }
0x1d1: {  	s18 =	simm.s32 $0x1;
	v12 =	vmul.f32 v21, v21;
	v24 =	vadd.f32 v13, v11;
	v11 =	vadd.f32 v16, v9  }
0x1d2: {  	s19 =	simm.s32 $0x33F0;
	v21 =	vmov s18;
	v13 =	vmul.f32 v18, v18;
	v16 =	vsub.f32 v56, v23  }
0x1d3: {  	vm1 =	veq.s32 v21, v0;
	v21 =	vld [tilespmem:s19+$0xFFFFFF10];
	v18 =	vadd.f32 v12, v17;
	v11 =	vadd.f32 v15, v11  }
0x1d4: {  	v9 =	vld [tilespmem:s19+$0xFFFFFF60];
	v15 =	vmul.f32 v13, v13;
	v16 =	vmul.f32 v16, v16;
	v10 =	vadd.f32 v13, v10  }
0x1d5: {  	v29 =	vperm.xlane v7, v3;
	v12 =	vld [tilespmem:s19+$0xFFFFFF50];
	v13 =	vsub.f32 v58, v22;
	v14 =	vadd.f32 v14, v11  }
0x1d6: {  	s20 =	simm.s32 $0x53F0;
	v17 =	vld [tilespmem:s19+$0xFFFFFF40];
	v15 =	vadd.f32 v15, v18;
	v22 =	vmul.f32 v16, v16;
	v11 =	vadd.f32 v20, v6  }
0x1d7: {  	v23 =	vld [tilespmem:s20+$0xFFFFFF10];
	v10 =	vadd.f32 v16, v10;
	v6 =	vsel vm1, v24, v28;
	v16 =	vmul.f32 v13, v13  }
0x1d8: {  	v18 =	vld [tilespmem:s19+$0xFFFFFF30];
	v14 =	vadd.f32 v19, v14;
	v27 =	vadd.f32 v22, v15;
	v26 =	vperm.xlane v11, v3  }
0x1d9: {  	s31 =	simm.s32 $0x1200;
	s21 =	simm.s32 $0x100;
	v20 =	vld [tilespmem:s19+$0xFFFFFF20];
	v15 =	vadd.f32 v25, v8;
	v13 =	vadd.f32 v16, v10;
	v10 =	vmul.f32 v16, v16  }
0x1da: {  	s22 =	sand.u32 $0x1800, s31;
	s23 =	sand.u32 $0x380, s21;
	v22 =	vld [tilespmem:s20+$0xFFFFFF30];
	v25 =	vadd.f32 v7, v29;
	v8 =	vimm.f32 $0.0e+00;
	v19 =	vadd.f32 v63, v14  }
0x1db: {  	s23 =	sor.u32 s23, s22;
	s22 =	simm.s32 $0x1300;
	v7 =	vimm.f32 $0.0e+00;
	v14 =	vld [tilespmem:s20+$0xFFFFFF20];
	v24 =	vadd.f32 v10, v27;
	v27 =	vperm.xlane v13, v1  }
.LBB2_4:
0x1dc: {  	p0 =	sne.s32 s22, $0x1F00;
	v16 =	vld [tilespmem:s23+$0x100];
	v10 =	vperm.xlane v19, v1;
	v26 =	vadd.f32 v26, v11;
	v28 =	vperm.xlane v15, v4  }
0x1dd: {  	v29 =	vld [tilespmem:s23+$0x110];
	v27 =	vadd.f32 v13, v27;
	v13 =	vperm.xlane v24, v1;
	v30 =	vperm.xlane v25, v4  }
0x1de: {  	v31 =	vld [tilespmem:s23+$0x120];
	v11 =	vadd.f32 v10, v19;
	v10 =	vperm.xlane v26, v4;
	v15 =	vadd.f32 v28, v15  }
0x1df: {  	v19 =	vld [tilespmem:s20+$0xFFFFFF50];
	v28 =	vperm.xlane v27, v2;
	v24 =	vadd.f32 v13, v24;
	v25 =	vadd.f32 v25, v30  }
0x1e0: {  	v30 =	vld [tilespmem:s20+$0xFFFFFF40];
	v13 =	vperm.xlane v11, v2;
	v26 =	vadd.f32 v10, v26;
	v5 =	vsel vm0, v15, v5  }
0x1e1: {  	v15 =	vsub.f32 v16, v21;
	v21 =	vld [tilespmem:s23+$0x130];
	v10 =	vadd.f32 v27, v28;
	v27 =	vperm.xlane v24, v2  }
0x1e2: {  	v16 =	vsub.f32 v16, v23;
	v8 =	vsel vm0, v25, v8;
	v14 =	vsub.f32 v29, v14;
	v23 =	vld [tilespmem:s23+$0x140]  }
0x1e3: {  	v20 =	vsub.f32 v29, v20;
	v15 =	vmul.f32 v15, v15;
	v22 =	vsub.f32 v31, v22;
	v25 =	vld [tilespmem:s20+$0xFFFFFF60]  }
0x1e4: {  	v16 =	vmul.f32 v16, v16;
	v18 =	vsub.f32 v31, v18;
	v28 =	vmul.f32 v14, v14;
	v29 =	vld [tilespmem:s23+$0x150]  }
0x1e5: {  	v20 =	vmul.f32 v20, v20;
	v14 =	vadd.f32 v27, v24;
	v22 =	vmul.f32 v22, v22;
	v31 =	vld [tilespmem:s20+$0xFFFFFF70]  }
0x1e6: {  	v24 =	vmul.f32 v16, v16;
	v27 =	vmul.f32 v28, v28;
	v30 =	vsub.f32 v21, v30;
	v32 =	vld [tilespmem:s23+$0x160]  }
0x1e7: {  	v33 =	vmul.f32 v15, v15;
	v34 =	vmul.f32 v20, v20;
	v19 =	vsub.f32 v23, v19;
	v35 =	vld [tilespmem:s20+$0xFFFFFF80]  }
0x1e8: {  	v24 =	vadd.f32 v27, v24;
	v27 =	vmul.f32 v22, v22;
	v30 =	vmul.f32 v30, v30;
	v36 =	vld [tilespmem:s23+$0x170]  }
0x1e9: {  	v18 =	vmul.f32 v18, v18;
	v17 =	vsub.f32 v21, v17;
	v21 =	vsub.f32 v29, v25;
	v25 =	vld [tilespmem:s20+$0xFFFFFF90]  }
0x1ea: {  	v37 =	vmul.f32 v19, v19;
	v24 =	vadd.f32 v27, v24;
	v27 =	vmul.f32 v30, v30;
	v38 =	vld [tilespmem:s23+$0x500]  }
0x1eb: {  	v19 =	vadd.f32 v34, v33;
	v33 =	vmul.f32 v18, v18;
	v31 =	vsub.f32 v32, v31;
	v34 =	vld [tilespmem:s20+$0xFFFFFFA0]  }
0x1ec: {  	v39 =	vmul.f32 v21, v21;
	v24 =	vadd.f32 v27, v24;
	v27 =	vmul.f32 v37, v37;
	v40 =	vld [tilespmem:s23+$0x510]  }
0x1ed: {  	v41 =	vadd.f32 v20, v15;
	v42 =	vmul.f32 v17, v17;
	v15 =	vsub.f32 v36, v35;
	v17 =	vld [tilespmem:s20+$0xFFFFFFB0]  }
0x1ee: {  	v21 =	vadd.f32 v27, v24;
	v24 =	vmul.f32 v39, v39;
	v27 =	vmul.f32 v31, v31;
	v20 =	vld [tilespmem:s23+$0x520]  }
0x1ef: {  	v16 =	vadd.f32 v28, v16;
	v28 =	vmul.f32 v42, v42;
	v25 =	vsub.f32 v38, v25;
	v31 =	vld [tilespmem:s20+$0xFFFFFFC0]  }
0x1f0: {  	v35 =	vmul.f32 v15, v15;
	v21 =	vadd.f32 v24, v21;
	v24 =	vmul.f32 v27, v27;
	v43 =	vld [tilespmem:s23+$0x530]  }
0x1f1: {  	v12 =	vsub.f32 v23, v12;
	v15 =	vperm.xlane v14, v3;
	v23 =	vsub.f32 v40, v34;
	v34 =	vld [tilespmem:s20+$0xFFFFFFD0]  }
0x1f2: {  	v44 =	vmul.f32 v35, v35;
	v25 =	vmul.f32 v25, v25;
	v24 =	vadd.f32 v24, v21;
	v21 =	vld [tilespmem:s23+$0x540]  }
0x1f3: {  	v19 =	vadd.f32 v33, v19;
	v33 =	vmul.f32 v12, v12;
	v12 =	vsub.f32 v20, v17;
	v45 =	vld [tilespmem:s20+$0xFFFFFFE0]  }
0x1f4: {  	v23 =	vmul.f32 v23, v23;
	v24 =	vadd.f32 v44, v24;
	v44 =	vmul.f32 v25, v25;
	v17 =	vld [tilespmem:s23+$0x550]  }
0x1f5: {  	v41 =	vadd.f32 v18, v41;
	v46 =	vmul.f32 v33, v33;
	v18 =	vsub.f32 v43, v31;
	v31 =	vld [tilespmem:s20+$0xFFFFFFF0]  }
0x1f6: {  	v47 =	vmul.f32 v12, v12;
	v24 =	vadd.f32 v44, v24;
	v44 =	vmul.f32 v23, v23;
	v12 =	vld [tilespmem:s23+$0x560]  }
0x1f7: {  	v22 =	vadd.f32 v22, v16;
	v16 =	vperm.xlane v10, v3;
	v34 =	vsub.f32 v21, v34;
	v48 =	vld [tilespmem:s20+$0x0]  }
0x1f8: {  	v49 =	vmul.f32 v18, v18;
	v24 =	vadd.f32 v44, v24;
	v44 =	vmul.f32 v47, v47;
	v18 =	vld [tilespmem:s23+$0x570]  }
0x1f9: {  	v7 =	vsel vm0, v26, v7;
	v9 =	vsub.f32 v29, v9;
	v29 =	vsub.f32 v17, v45  }
0x1fa: {  	v34 =	vmul.f32 v34, v34;
	v26 =	vld [tilespmem:s19+$0xFFFFFF70];
	v24 =	vadd.f32 v44, v24;
	v44 =	vmul.f32 v49, v49  }
0x1fb: {  	v9 =	vmul.f32 v9, v9;
	v28 =	vadd.f32 v28, v19;
	v19 =	vsub.f32 v12, v31  }
0x1fc: {  	v31 =	vmul.f32 v34, v34;
	v29 =	vmul.f32 v29, v29;
	v24 =	vadd.f32 v44, v24  }
0x1fd: {  	v41 =	vadd.f32 v42, v41;
	v42 =	vmul.f32 v9, v9;
	v44 =	vsub.f32 v18, v48  }
0x1fe: {  	v48 =	vmul.f32 v19, v19;
	v45 =	vld [tilespmem:s19+$0xFFFFFF80];
	v24 =	vadd.f32 v31, v24;
	v31 =	vmul.f32 v29, v29  }
0x1ff: {  	vm0 =	vmmov vm1;
	v22 =	vadd.f32 v30, v22;
	v26 =	vsub.f32 v32, v26  }
0x200: {  	v19 =	vmul.f32 v44, v44;
	v30 =	vld [tilespmem:s19+$0xFFFFFF90];
	v24 =	vadd.f32 v31, v24;
	v31 =	vmul.f32 v48, v48  }
0x201: {  	v28 =	vadd.f32 v46, v28;
	v32 =	vadd.f32 v33, v41;
	v26 =	vmul.f32 v26, v26  }
0x202: {  	v22 =	vadd.f32 v37, v22;
	v24 =	vadd.f32 v31, v24;
	v31 =	vmul.f32 v19, v19  }
0x203: {  	v28 =	vadd.f32 v42, v28;
	v33 =	vmul.f32 v26, v26;
	v36 =	vsub.f32 v36, v45;
	v37 =	vld [tilespmem:s19+$0xFFFFFFA0]  }
0x204: {  	v9 =	vadd.f32 v9, v32;
	v24 =	vadd.f32 v31, v24  }
0x205: {  	v22 =	vadd.f32 v39, v22;
	v31 =	vmul.f32 v36, v36;
	v30 =	vsub.f32 v38, v30  }
0x206: {  	v9 =	vadd.f32 v26, v9;
	v26 =	vadd.f32 v33, v28;
	v28 =	vld [tilespmem:s19+$0xFFFFFFB0];
	v32 =	vperm.xlane v24, v1  }
0x207: {  	v22 =	vadd.f32 v27, v22;
	v27 =	vmul.f32 v31, v31;
	v30 =	vmul.f32 v30, v30  }
0x208: {  	v33 =	vsub.f32 v40, v37;
	v36 =	vld [tilespmem:s19+$0xFFFFFFC0];
	v24 =	vadd.f32 v32, v24  }
0x209: {  	v9 =	vadd.f32 v31, v9;
	v26 =	vadd.f32 v27, v26;
	v27 =	vmul.f32 v30, v30  }
0x20a: {  	v22 =	vadd.f32 v35, v22;
	v31 =	vmul.f32 v33, v33;
	v32 =	vperm.xlane v24, v2  }
0x20b: {  	v26 =	vadd.f32 v27, v26;
	v20 =	vsub.f32 v20, v28;
	v27 =	vld [tilespmem:s19+$0xFFFFFFD0]  }
0x20c: {  	v9 =	vadd.f32 v30, v9;
	v28 =	vmul.f32 v31, v31;
	v24 =	vadd.f32 v32, v24  }
0x20d: {  	v22 =	vadd.f32 v25, v22;
	v20 =	vmul.f32 v20, v20;
	v25 =	vsub.f32 v43, v36  }
0x20e: {  	v9 =	vadd.f32 v31, v9;
	v26 =	vadd.f32 v28, v26;
	v28 =	vld [tilespmem:s19+$0xFFFFFFE0];
	v30 =	vperm.xlane v24, v3  }
0x20f: {  	v22 =	vadd.f32 v23, v22;
	v23 =	vmul.f32 v20, v20;
	v25 =	vmul.f32 v25, v25  }
0x210: {  	v21 =	vsub.f32 v21, v27;
	v24 =	vadd.f32 v30, v24  }
0x211: {  	v9 =	vadd.f32 v20, v9;
	v20 =	vadd.f32 v23, v26;
	v23 =	vmul.f32 v25, v25;
	v26 =	vld [tilespmem:s19+$0xFFFFFFF0]  }
0x212: {  	v22 =	vadd.f32 v47, v22;
	v21 =	vmul.f32 v21, v21;
	v27 =	vperm.xlane v24, v4  }
0x213: {  	s18 =	sadd.s32 $0x1, s18;
	v20 =	vadd.f32 v23, v20;
	v17 =	vsub.f32 v17, v28  }
0x214: {  	v23 =	vadd.f32 v25, v9;
	v9 =	vmov s18;
	v25 =	vld [tilespmem:s19+$0x0];
	v24 =	vadd.f32 v27, v24  }
0x215: {  	v22 =	vadd.f32 v49, v22;
	v27 =	vmul.f32 v21, v21;
	vm1 =	veq.s32 v9, v0  }
0x216: {  	s19 =	sadd.s32 $0x100, s19;
	v28 =	vmul.f32 v17, v17;
	v17 =	vsub.f32 v12, v26;
	v6 =	vsel vm1, v24, v6  }
0x217: {  	v21 =	vadd.f32 v21, v23;
	v20 =	vadd.f32 v27, v20;
	v9 =	vld [tilespmem:s19+$0xFFFFFF60]  }
0x218: {  	v22 =	vadd.f32 v34, v22;
	v23 =	vmul.f32 v28, v28;
	v12 =	vld [tilespmem:s19+$0xFFFFFF50];
	v24 =	vmul.f32 v17, v17  }
0x219: {  	v26 =	vadd.f32 v28, v21;
	v17 =	vld [tilespmem:s19+$0xFFFFFF40];
	v25 =	vsub.f32 v18, v25  }
0x21a: {  	v22 =	vadd.f32 v29, v22;
	v23 =	vadd.f32 v23, v20;
	v18 =	vld [tilespmem:s19+$0xFFFFFF30];
	v27 =	vmul.f32 v24, v24  }
.Ltmp1:
0x21b: {  	v11 =	vadd.f32 v13, v11;
	v24 =	vadd.f32 v24, v26;
	v21 =	vld [tilespmem:s19+$0xFFFFFF10];
	v25 =	vmul.f32 v25, v25;
	(pc) =	sbr.rel @p0 .LBB2_4-.Ltmp1, $4  }
0x21c: {  	s20 =	sadd.s32 $0x100, s20;
	v28 =	vadd.f32 v48, v22;
	v20 =	vld [tilespmem:s19+$0xFFFFFF20];
	v27 =	vadd.f32 v27, v23  }
0x21d: {  	s21 =	sadd.s32 $0x80, s21;
	v26 =	vperm.xlane v11, v3;
	v22 =	vld [tilespmem:s20+$0xFFFFFF30];
	v13 =	vadd.f32 v25, v24;
	v24 =	vmul.f32 v25, v25  }
0x21e: {  	s24 =	sand.u32 $0x380, s21;
	v15 =	vadd.f32 v15, v14;
	s23 =	sand.u32 $0x1800, s22;
	v19 =	vadd.f32 v19, v28;
	v23 =	vld [tilespmem:s20+$0xFFFFFF10]  }
0x21f: {  	s22 =	sadd.s32 $0x100, s22;
	s23 =	sor.u32 s24, s23;
	v25 =	vadd.f32 v10, v16;
	v14 =	vld [tilespmem:s20+$0xFFFFFF20];
	v24 =	vadd.f32 v24, v27;
	v27 =	vperm.xlane v13, v1  }
0x220: {  	v28 =	vld [tilespmem:s23+$0x100]  }
0x221: {  	v48 =	vld [tilespmem:s23+$0x110]  }
0x222: {  	v29 =	vld [tilespmem:s23+$0x120]  }
0x223: {  	v32 =	vld [tilespmem:s20+$0xFFFFFF40]  }
0x224: {  	v10 =	vperm.xlane v19, v1;
	v11 =	vadd.f32 v26, v11;
	v51 =	vld [tilespmem:s23+$0x130]  }
0x225: {  	v16 =	vperm.xlane v15, v4;
	v54 =	vld [tilespmem:s20+$0xFFFFFF60];
	v27 =	vadd.f32 v13, v27;
	v49 =	vperm.xlane v24, v1  }
0x226: {  	v33 =	vld [tilespmem:s23+$0x150];
	v30 =	vperm.xlane v25, v4;
	v10 =	vadd.f32 v10, v19;
	v50 =	vperm.xlane v11, v4  }
0x227: {  	v57 =	vld [tilespmem:s20+$0xFFFFFF70];
	v16 =	vadd.f32 v16, v15;
	v24 =	vadd.f32 v49, v24  }
0x228: {  	v35 =	vld [tilespmem:s23+$0x160];
	v15 =	vadd.f32 v25, v30;
	v13 =	vadd.f32 v50, v11  }
0x229: {  	v36 =	vld [tilespmem:s20+$0xFFFFFF80];
	v52 =	vperm.xlane v27, v2;
	v23 =	vsub.f32 v28, v23;
	v14 =	vsub.f32 v48, v14  }
0x22a: {  	v37 =	vld [tilespmem:s23+$0x170];
	vm12 =	vmmov vm1;
	v21 =	vsub.f32 v28, v21;
	v22 =	vsub.f32 v29, v22  }
0x22b: {  	v63 =	vld [tilespmem:s20+$0xFFFFFF90];
	v5 =	vsel vm0, v16, v5;
	v11 =	vadd.f32 v27, v52;
	v56 =	vsub.f32 v48, v20  }
0x22c: {  	v38 =	vld [tilespmem:s23+$0x500];
	v53 =	vperm.xlane v24, v2;
	v32 =	vsub.f32 v51, v32;
	v18 =	vsub.f32 v29, v18  }
0x22d: {  	v31 =	vld [tilespmem:s20+$0xFFFFFF50];
	v62 =	vsub.f32 v33, v54;
	v23 =	vmul.f32 v23, v23;
	v55 =	vmul.f32 v14, v14  }
0x22e: {  	v46 =	vld [tilespmem:s20+$0xFFFFFFA0];
	v45 =	vsub.f32 v35, v57;
	v21 =	vmul.f32 v21, v21;
	v20 =	vmul.f32 v22, v22  }
0x22f: {  	v25 =	vld [tilespmem:s23+$0x140];
	v36 =	vsub.f32 v37, v36;
	v59 =	vmul.f32 v56, v56;
	v32 =	vmul.f32 v32, v32  }
0x230: {  	v40 =	vld [tilespmem:s23+$0x510];
	v17 =	vsub.f32 v51, v17;
	v28 =	vmul.f32 v62, v62;
	v19 =	vmul.f32 v45, v45  }
0x231: {  	v50 =	vsub.f32 v38, v63;
	v36 =	vmul.f32 v36, v36;
	v18 =	vmul.f32 v18, v18  }
0x232: {  	v9 =	vsub.f32 v33, v9;
	v58 =	vmul.f32 v23, v23;
	v34 =	vmul.f32 v55, v55  }
0x233: {  	v41 =	vld [tilespmem:s23+$0x520];
	v14 =	vadd.f32 v53, v24;
	v29 =	vmul.f32 v50, v50;
	v17 =	vmul.f32 v17, v17  }
0x234: {  	v42 =	vld [tilespmem:s23+$0x530];
	v31 =	vsub.f32 v25, v31;
	v60 =	vmul.f32 v20, v20;
	v26 =	vadd.f32 v34, v58  }
0x235: {  	v48 =	vld [tilespmem:s20+$0xFFFFFFB0];
	v22 =	vsub.f32 v40, v46;
	v9 =	vmul.f32 v9, v9;
	v61 =	vmul.f32 v21, v21  }
0x236: {  	v51 =	vld [tilespmem:s20+$0xFFFFFFC0];
	v44 =	vmul.f32 v32, v32;
	v31 =	vmul.f32 v31, v31;
	v26 =	vadd.f32 v60, v26  }
0x237: {  	v56 =	vld [tilespmem:s20+$0xFFFFFFE0];
	v12 =	vsub.f32 v25, v12;
	v39 =	vmul.f32 v59, v59;
	v49 =	vmul.f32 v28, v28  }
0x238: {  	v45 =	vld [tilespmem:s23+$0x550];
	v21 =	vadd.f32 v59, v21;
	v47 =	vmul.f32 v31, v31;
	v26 =	vadd.f32 v44, v26  }
0x239: {  	v43 =	vld [tilespmem:s23+$0x540];
	v52 =	vmul.f32 v19, v19;
	v23 =	vadd.f32 v55, v23;
	v54 =	vmul.f32 v36, v36  }
0x23a: {  	v53 =	vld [tilespmem:s20+$0xFFFFFFD0];
	v57 =	vmul.f32 v29, v29;
	v22 =	vmul.f32 v22, v22;
	v26 =	vadd.f32 v47, v26  }
0x23b: {  	v46 =	vld [tilespmem:s23+$0x560];
	v62 =	vmul.f32 v17, v17;
	v55 =	vsub.f32 v41, v48;
	v30 =	vsub.f32 v42, v51  }
0x23c: {  	v12 =	vmul.f32 v12, v12;
	v58 =	vld [tilespmem:s20+$0xFFFFFFF0];
	v20 =	vadd.f32 v20, v23;
	v26 =	vadd.f32 v49, v26  }
0x23d: {  	v24 =	vadd.f32 v39, v61;
	v59 =	vmul.f32 v22, v22;
	v39 =	vsub.f32 v45, v56  }
0x23e: {  	v25 =	vmul.f32 v55, v55;
	v55 =	vld [tilespmem:s19+$0xFFFFFF80];
	v20 =	vadd.f32 v32, v20;
	v26 =	vadd.f32 v52, v26  }
0x23f: {  	v60 =	vsub.f32 v43, v53;
	v44 =	vmul.f32 v18, v18;
	v18 =	vadd.f32 v18, v21  }
0x240: {  	v63 =	vld [tilespmem:s20+$0x0];
	v30 =	vmul.f32 v30, v30;
	v20 =	vadd.f32 v31, v20;
	v26 =	vadd.f32 v54, v26  }
0x241: {  	v51 =	vld [tilespmem:s19+$0xFFFFFFC0];
	v48 =	vmul.f32 v12, v12;
	v24 =	vadd.f32 v44, v24;
	v44 =	vsub.f32 v46, v58  }
0x242: {  	v53 =	vld [tilespmem:s19+$0xFFFFFF70];
	v61 =	vmul.f32 v25, v25;
	v17 =	vadd.f32 v17, v18;
	v26 =	vadd.f32 v57, v26  }
0x243: {  	v39 =	vmul.f32 v39, v39;
	v47 =	vld [tilespmem:s23+$0x570];
	v18 =	vsub.f32 v37, v55;
	v20 =	vadd.f32 v28, v20  }
0x244: {  	v21 =	vmul.f32 v60, v60;
	v58 =	vld [tilespmem:s19+$0xFFFFFF90];
	v24 =	vadd.f32 v62, v24;
	v26 =	vadd.f32 v59, v26  }
0x245: {  	v60 =	vmul.f32 v9, v9;
	v12 =	vadd.f32 v12, v17;
	v19 =	vadd.f32 v19, v20  }
0x246: {  	v20 =	vsub.f32 v42, v51;
	v52 =	vmul.f32 v30, v30;
	v26 =	vadd.f32 v61, v26  }
0x247: {  	v34 =	vmul.f32 v44, v44;
	v9 =	vadd.f32 v9, v12;
	v57 =	vsub.f32 v35, v53  }
0x248: {  	v19 =	vadd.f32 v36, v19;
	v54 =	vmul.f32 v21, v21;
	v26 =	vadd.f32 v52, v26  }
0x249: {  	v23 =	vsub.f32 v47, v63;
	v63 =	vld [tilespmem:s19+$0xFFFFFFA0];
	v50 =	vsub.f32 v38, v58;
	v44 =	vmul.f32 v57, v57  }
0x24a: {  	v56 =	vmul.f32 v39, v39;
	v49 =	vld [tilespmem:s19+$0xFFFFFFB0];
	v19 =	vadd.f32 v29, v19;
	v26 =	vadd.f32 v54, v26  }
0x24b: {  	v18 =	vmul.f32 v18, v18;
	v61 =	vadd.f32 v48, v24;
	v9 =	vadd.f32 v44, v9  }
0x24c: {  	v23 =	vmul.f32 v23, v23;
	v59 =	vmul.f32 v34, v34;
	v26 =	vadd.f32 v56, v26  }
0x24d: {  	v27 =	vmul.f32 v44, v44;
	v17 =	vadd.f32 v60, v61;
	v9 =	vadd.f32 v18, v9  }
0x24e: {  	v55 =	vld [tilespmem:s19+$0xFFFFFFE0];
	v52 =	vmul.f32 v50, v50;
	v62 =	vadd.f32 v59, v26;
	v26 =	vsub.f32 v40, v63  }
0x24f: {  	v28 =	vsub.f32 v41, v49;
	v53 =	vld [tilespmem:s19+$0xFFFFFFD0];
	v18 =	vmul.f32 v18, v18;
	v17 =	vadd.f32 v27, v17  }
0x250: {  	v19 =	vadd.f32 v22, v19;
	v9 =	vadd.f32 v52, v9;
	v26 =	vmul.f32 v26, v26  }
0x251: {  	v28 =	vmul.f32 v28, v28;
	v54 =	vmul.f32 v52, v52;
	v17 =	vadd.f32 v18, v17  }
0x252: {  	v58 =	vld [tilespmem:s19+$0xFFFFFFF0];
	v19 =	vadd.f32 v25, v19;
	v48 =	vmul.f32 v23, v23;
	v9 =	vadd.f32 v26, v9  }
0x253: {  	v24 =	vsub.f32 v45, v55;
	v17 =	vadd.f32 v54, v17;
	v56 =	vmul.f32 v26, v26  }
0x254: {  	v20 =	vmul.f32 v20, v20;
	v57 =	vsub.f32 v43, v53;
	v60 =	vld [tilespmem:s19+$0x0];
	v9 =	vadd.f32 v28, v9  }
0x255: {  	v59 =	vmul.f32 v28, v28;
	v12 =	vadd.f32 v48, v62;
	v17 =	vadd.f32 v56, v17  }
0x256: {  	v22 =	vmul.f32 v57, v57;
	v62 =	vadd.f32 v30, v19;
	v9 =	vadd.f32 v20, v9  }
0x257: {  	v63 =	vmul.f32 v20, v20;
	v26 =	vsub.f32 v46, v58;
	v17 =	vadd.f32 v59, v17  }
0x258: {  	v18 =	vadd.f32 v21, v62;
	v28 =	vmul.f32 v24, v24;
	v9 =	vadd.f32 v22, v9  }
0x259: {  	v32 =	vsub.f32 v47, v60;
	v30 =	vmul.f32 v22, v22;
	v17 =	vadd.f32 v63, v17  }
0x25a: {  	v31 =	vmul.f32 v26, v26;
	v18 =	vadd.f32 v39, v18;
	v9 =	vadd.f32 v28, v9  }
0x25b: {  	v8 =	vsel vm0, v15, v8;
	v33 =	vmul.f32 v28, v28;
	v17 =	vadd.f32 v30, v17  }
0x25c: {  	v35 =	vmul.f32 v32, v32;
	v18 =	vadd.f32 v34, v18;
	v9 =	vadd.f32 v31, v9  }
0x25d: {  	v7 =	vsel vm0, v13, v7;
	v37 =	vmul.f32 v31, v31;
	v17 =	vadd.f32 v33, v17  }
0x25e: {  	v44 =	vperm.xlane v11, v3;
	v38 =	vadd.f32 v23, v18;
	v9 =	vadd.f32 v35, v9  }
0x25f: {  	v42 =	vperm.xlane v14, v3;
	v39 =	vmul.f32 v35, v35;
	v17 =	vadd.f32 v37, v17  }
0x260: {  	v11 =	vadd.f32 v11, v44;
	v41 =	vperm.xlane v38, v1;
	v40 =	vperm.xlane v9, v1  }
0x261: {  	v14 =	vadd.f32 v42, v14;
	v61 =	vperm.xlane v10, v2;
	v17 =	vadd.f32 v39, v17  }
0x262: {  	v53 =	vperm.xlane v11, v4;
	v45 =	vadd.f32 v41, v38;
	v9 =	vadd.f32 v9, v40  }
0x263: {  	v10 =	vadd.f32 v61, v10;
	v29 =	vperm.xlane v12, v1;
	v46 =	vperm.xlane v17, v1  }
0x264: {  	v11 =	vadd.f32 v11, v53;
	v19 =	vperm.xlane v45, v2;
	v47 =	vperm.xlane v9, v2  }
0x265: {  	v49 =	vperm.xlane v10, v3;
	v12 =	vadd.f32 v29, v12;
	v13 =	vadd.f32 v46, v17  }
0x266: {  	v60 =	vperm.xlane v14, v4;
	v15 =	vadd.f32 v19, v45;
	v9 =	vadd.f32 v9, v47  }
0x267: {  	v10 =	vadd.f32 v49, v10;
	v36 =	vperm.xlane v12, v2;
	v50 =	vperm.xlane v13, v2  }
0x268: {  	v14 =	vadd.f32 v60, v14;
	v52 =	vperm.xlane v15, v3;
	v51 =	vperm.xlane v9, v3  }
0x269: {  	v8 =	vsel vm12, v11, v8;
	v12 =	vadd.f32 v36, v12;
	v13 =	vadd.f32 v50, v13  }
0x26a: {  	s18 =	sadd.s32 $0x1, s18;
	v54 =	vperm.xlane v10, v4;
	v56 =	vld [tilespmem:$0x10];
	v15 =	vadd.f32 v52, v15;
	v9 =	vadd.f32 v9, v51  }
0x26b: {  	v48 =	vmov s18;
	v59 =	vld [tilespmem:$0x90];
	v43 =	vperm.xlane v12, v3;
	v55 =	vperm.xlane v13, v3  }
0x26c: {  	v10 =	vadd.f32 v54, v10;
	v58 =	vperm.xlane v15, v4;
	v57 =	vperm.xlane v9, v4  }
0x26d: {  	vm13 =	veq.s32 v48, v0;
	v12 =	vadd.f32 v43, v12;
	v13 =	vadd.f32 v55, v13  }
0x26e: {  	vm2 =	vmmov vm13;
	v61 =	vadd.f32 v58, v15;
	v9 =	vadd.f32 v9, v57  }
0x26f: {  	v7 =	vsel vm12, v10, v7;
	v21 =	vperm.xlane v12, v4;
	v62 =	vperm.xlane v13, v4  }
0x270: {  	vm4 =	vlt.s32 v59, v56;
	v7 =	vsel vm2, v61, v7;
	v8 =	vsel vm2, v9, v8  }
0x271: {  	v12 =	vadd.f32 v21, v12;
	v63 =	vadd.f32 v62, v13;
	vm3 =	veq.f32 v7, v8  }
0x272: {  	v5 =	vsel vm12, v14, v5;
	vm15 =	vlt.f32 v7, v8;
	vm14 =	vmand vm3, vm4  }
0x273: {  	s17 =	sadd.s32 $0x1, s17;
	v6 =	vsel vm13, v12, v6;
	v5 =	vsel vm2, v63, v5;
	vm0 =	vmor vm15, vm14  }
0x274: {  	p0 =	sne.s32 s17, s8;
	v5 =	vsel vm0, v6, v5  }
.Ltmp2:
0x275: {  	[tilespmem:$0x6110] =	vst v5;
	(pc) =	sbr.rel @p0 .LBB2_1-.Ltmp2, $4  }
0x276: {  	[hbm4b:s7+s1] =	stream.linear.scatter [tilespmem:s16], [sflag:$0x2], $0x20, $0x38;
	[tilespmem:$0x6180] =	vst v63  }
0x277: {  	_ =	swait.ge [sflag:s9], $0x20  }
0x278: {  	[sflag:s9] =	ssyncset.done $0x0  }
0x279: {  	[sflag:s9] =	ssyncadd.s32 $0xFFFFFFE0  }
0x27a: {  	_ =	sfence.sel $0x180000  }
0x27b: {  	[bflag:$0x0] =	sbarrier.arrive $0xFFFF  }
0x27c: {  	p0 =	sne.s32 s2, $0x0;
	_ =	strace $0x90000047  }
0x27d: {  	s0 =	sadd.s32 @!p0 $0x100000, s0;
	[bflag:$0x2] =	sbarrier.arrive $0xFFFF  }
0x27e: {  	[sflag:s0] =	ssyncadd.tile.s32 @!p0 $0x1;
	_ =	shalt  }
.Lfunc_end2:
_tile_overlayer_lowered:
.L_overlay_start_2:
0x27f: {  	(tag) =	ssettag $0x2  }
0x280: {  	s0 =	rddreg [dreg:$0x0];
	s2 =	stileid.u32  }
0x281: {  	s1 =	rddreg [dreg:$0x1];
	p0 =	sne.s32 s2, $0x0  }
0x282: {  	s3 =	rddreg [dreg:$0x2];
	[bflag:$0x3] =	sbarrier.arrive $0xFFFF;
	s2 =	simm.s32 @!p0 $0x1C02  }
0x283: {  	[timem:s3], [sflag:s2] =	dma.local @!p0 [hbm:s0], s1  }
0x284: {  	s0 =	simm.s32 @!p0 $0x2  }
0x285: {  	_ =	swait.ge @!p0 [sflag:s0], s1  }
0x286: {  	s1 =	ssub.s32 @!p0 $0x0, s1;
	[sflag:s0] =	ssyncset.done @!p0 $0x0  }
0x287: {  	[sflag:s0] =	ssyncadd.s32 @!p0 s1  }
0x288: {  	[bflag:$0x3] =	sbarrier.arrive $0xFFFF  }
0x289: {  	_ =	shalt  }

</sc_bundles>
